<compile_context>
chip_gen: v7x
topology: tpu7x:2x2x1
jax: 0.10.2.dev20260603
libtpu: 0.0.44.dev20260713+nightly
codegen_flags: <defaults>
</compile_context>

<pallas_src>
import functools

import jax
import jax.numpy as jnp
from jax import lax
from jax.experimental import pallas as pl
from jax.experimental.pallas import tpu as pltpu
from jax.experimental.pallas import tpu_sc as plsc

NW = 32
CHUNK = 128


def _cdiv(a, b):
    return (a + b - 1) // b


def _build_tables(node_feat, coordp, We1a, be1, We1b, bn):
    n = node_feat.shape[0]
    d = node_feat.shape[1]

    def body(nf_ref, cp_ref, wa_ref, ba_ref, wb_ref, t1_ref, t2_ref):
        nf = nf_ref[...]
        t1_ref[:, :d] = jnp.dot(nf, wa_ref[...],
                                preferred_element_type=jnp.float32) + ba_ref[...]
        t1_ref[:, d:] = cp_ref[...]
        t2_ref[:, :d] = jnp.dot(nf, wb_ref[...],
                                preferred_element_type=jnp.float32)
        t2_ref[:, d:] = cp_ref[...]

    grid = (n // bn,)
    out = pl.pallas_call(
        body,
        grid=grid,
        in_specs=[
            pl.BlockSpec((bn, d), lambda i: (i, 0)),
            pl.BlockSpec((bn, 16), lambda i: (i, 0)),
            pl.BlockSpec((d, d), lambda i: (0, 0)),
            pl.BlockSpec((1, d), lambda i: (0, 0)),
            pl.BlockSpec((d, d), lambda i: (0, 0)),
        ],
        out_specs=[
            pl.BlockSpec((bn, d + 16), lambda i: (i, 0)),
            pl.BlockSpec((bn, d + 16), lambda i: (i, 0)),
        ],
        out_shape=[
            jax.ShapeDtypeStruct((n, d + 16), jnp.float32),
            jax.ShapeDtypeStruct((n, d + 16), jnp.float32),
        ],
    )(node_feat, coordp, We1a, be1, We1b)
    return out


def _gather_edges(t1, t2, src2d, dst2d, e_pad, d):
    nchunk = e_pad // CHUNK
    per_w = nchunk // NW
    w16 = d + 16
    mesh = plsc.VectorSubcoreMesh(core_axis_name="c", subcore_axis_name="s")

    @functools.partial(
        pl.kernel,
        out_type=jax.ShapeDtypeStruct((e_pad, w16), jnp.float32),
        mesh=mesh,
        scratch_types=[
            pltpu.VMEM((per_w, CHUNK), jnp.int32),
            pltpu.VMEM((per_w, CHUNK), jnp.int32),
            pltpu.VMEM((2, CHUNK, w16), jnp.float32),
            pltpu.VMEM((2, CHUNK, w16), jnp.float32),
            pltpu.SemaphoreType.DMA,
            pltpu.SemaphoreType.DMA,
            pltpu.SemaphoreType.DMA,
            pltpu.SemaphoreType.DMA,
        ],
        compiler_params=pltpu.CompilerParams(use_tc_tiling_on_sc=False, skip_device_barrier=True),
    )
    def gath(t1_hbm, t2_hbm, src_hbm, dst_hbm, gx_hbm,
             sidx, didx, r1, r2, s1a, s1b, s2a, s2b):
        w = lax.axis_index("s") * 2 + lax.axis_index("c")
        cbase = w * per_w
        pltpu.sync_copy(src_hbm.at[pl.ds(cbase, per_w)], sidx)
        pltpu.sync_copy(dst_hbm.at[pl.ds(cbase, per_w)], didx)
        sems1 = (s1a, s1b)
        sems2 = (s2a, s2b)

        def issue(c, b):
            pltpu.async_copy(t1_hbm.at[sidx.at[c]], r1.at[b], sems1[b])
            pltpu.async_copy(t2_hbm.at[didx.at[c]], r2.at[b], sems2[b])

        def wait(b):
            pltpu.make_async_copy(t1_hbm.at[sidx.at[0]], r1.at[b],
                                  sems1[b]).wait()
            pltpu.make_async_copy(t2_hbm.at[didx.at[0]], r2.at[b],
                                  sems2[b]).wait()

        issue(0, 0)
        issue(1, 1)

        @pl.loop(0, _cdiv(per_w, 2))
        def _(i):
            for b in range(2):
                c = 2 * i + b

                @pl.when(c < per_w)
                def _():
                    wait(b)

                    @pl.loop(0, CHUNK)
                    def _(r):
                        row = (b, pl.ds(r, 1))
                        for j in range(d // 16):
                            sl = row + (pl.ds(16 * j, 16),)
                            r1[sl] = r1[sl] + r2[sl]
                        xsl = row + (pl.ds(d, 16),)
                        r1[xsl] = r1[xsl] - r2[xsl]

                    pltpu.sync_copy(
                        r1.at[b], gx_hbm.at[pl.ds((cbase + c) * CHUNK, CHUNK)])

                    @pl.when(c + 2 < per_w)
                    def _():
                        issue(c + 2, b)

    return gath(t1, t2, src2d, dst2d)


def _edge_mlp(gx, edge_feat, wr, We1e, We2, be2, Wc1, bc1, wc2r, e, be, h):
    e_pad = gx.shape[0]
    ed = edge_feat.shape[1]

    def body(gx_ref, ef_ref, wr_ref, w1e_ref, w2_ref, b2_ref,
             wc1_ref, bc1_ref, wc2_ref, mh_ref, mx_ref):
        g = gx_ref[:, :h]
        xdv = gx_ref[:, h:]
        radial = jnp.sum(xdv * xdv, axis=1, keepdims=True)
        pre = g + radial * wr_ref[...] + jnp.dot(
            ef_ref[...], w1e_ref[...], preferred_element_type=jnp.float32)
        z = pre * jax.nn.sigmoid(pre)
        m = jnp.dot(z, w2_ref[...], preferred_element_type=jnp.float32) + b2_ref[...]
        m = m * jax.nn.sigmoid(m)
        t = jnp.dot(m, wc1_ref[...], preferred_element_type=jnp.float32) + bc1_ref[...]
        t = t * jax.nn.sigmoid(t)
        coef = jnp.sum(t * wc2_ref[...], axis=1, keepdims=True)
        rnorm = coef / (jnp.sqrt(radial) + 1e-30)
        valid = (lax.broadcasted_iota(jnp.int32, (be, 1), 0)
                 + pl.program_id(0) * be) < e
        mh_ref[...] = jnp.where(valid, m, 0.0)
        lane = lax.broadcasted_iota(jnp.int32, (1, 16), 1)
        mx_ref[...] = jnp.where(
            valid, rnorm * xdv + jnp.where(lane == 3, 1.0, 0.0), 0.0)

    grid = (e_pad // be,)
    return pl.pallas_call(
        body,
        grid=grid,
        in_specs=[
            pl.BlockSpec((be, h + 16), lambda i: (i, 0)),
            pl.BlockSpec((be, ed), lambda i: (i, 0)),
            pl.BlockSpec((1, h), lambda i: (0, 0)),
            pl.BlockSpec((ed, h), lambda i: (0, 0)),
            pl.BlockSpec((h, h), lambda i: (0, 0)),
            pl.BlockSpec((1, h), lambda i: (0, 0)),
            pl.BlockSpec((h, h), lambda i: (0, 0)),
            pl.BlockSpec((1, h), lambda i: (0, 0)),
            pl.BlockSpec((1, h), lambda i: (0, 0)),
        ],
        out_specs=[
            pl.BlockSpec((be, h), lambda i: (i, 0)),
            pl.BlockSpec((be, 16), lambda i: (i, 0)),
        ],
        out_shape=[
            jax.ShapeDtypeStruct((e_pad, h), jnp.float32),
            jax.ShapeDtypeStruct((e_pad, 16), jnp.float32),
        ],
    )(gx, edge_feat, wr, We1e, We2, be2, Wc1, bc1, wc2r)


def _scatter_edges(mh, mx, dst2d, zh, zx, n, e, e_pad, h):
    nchunk = e // CHUNK
    nchunk_pad = e_pad // CHUNK
    per_w = nchunk_pad // NW
    rows_per_sub = n // 16
    mesh = plsc.VectorSubcoreMesh(core_axis_name="c", subcore_axis_name="s")

    @functools.partial(
        pl.kernel,
        out_type=(
            jax.ShapeDtypeStruct((2, n, h), jnp.float32),
            jax.ShapeDtypeStruct((2, n, 16), jnp.float32),
        ),
        mesh=mesh,
        scratch_types=[
            pltpu.VMEM((2, CHUNK), jnp.int32),
            pltpu.VMEM((2, CHUNK, h), jnp.float32),
            pltpu.VMEM((2, CHUNK, 16), jnp.float32),
            pltpu.VMEM_SHARED((n, h), jnp.float32),
            pltpu.VMEM_SHARED((n, 16), jnp.float32),
            pltpu.SemaphoreType.DMA,
            pltpu.SemaphoreType.DMA,
            pltpu.SemaphoreType.DMA,
            pltpu.SemaphoreType.DMA,
            pltpu.SemaphoreType.DMA,
            pltpu.SemaphoreType.DMA,
        ],
        compiler_params=pltpu.CompilerParams(use_tc_tiling_on_sc=False, skip_device_barrier=True),
    )
    def scat(mh_hbm, mx_hbm, dst_hbm, zh_hbm, zx_hbm, oh_hbm, ox_hbm,
             dv, bh, bx, acch, accx, sha, shb, sxa, sxb, sdva, sdvb):
        c_id = lax.axis_index("c")
        s_id = lax.axis_index("s")
        w = s_id * 2 + c_id
        cbase = w * per_w
        rb = s_id * rows_per_sub
        pltpu.sync_copy(zh_hbm.at[pl.ds(rb, rows_per_sub)],
                        acch.at[pl.ds(rb, rows_per_sub)])
        pltpu.sync_copy(zx_hbm.at[pl.ds(rb, rows_per_sub)],
                        accx.at[pl.ds(rb, rows_per_sub)])
        plsc.subcore_barrier()

        semsh = (sha, shb)
        semsx = (sxa, sxb)
        semsd = (sdva, sdvb)

        @pl.loop(0, per_w // 2)
        def _(i):
            c0 = cbase + 2 * i
            cps = []
            for b in range(2):
                base = (c0 + b) * CHUNK
                cps.append((
                    pltpu.async_copy(dst_hbm.at[c0 + b], dv.at[b], semsd[b]),
                    pltpu.async_copy(mh_hbm.at[pl.ds(base, CHUNK)],
                                     bh.at[b], semsh[b]),
                    pltpu.async_copy(mx_hbm.at[pl.ds(base, CHUNK)],
                                     bx.at[b], semsx[b]),
                ))

            for b in range(2):
                for cp in cps[b]:
                    cp.wait()
                pltpu.sync_copy(bh.at[b], acch.at[dv.at[b]], add=True)
                pltpu.sync_copy(bx.at[b], accx.at[dv.at[b]], add=True)

        plsc.subcore_barrier()
        pltpu.sync_copy(acch.at[pl.ds(rb, rows_per_sub)],
                        oh_hbm.at[c_id, pl.ds(rb, rows_per_sub)])
        pltpu.sync_copy(accx.at[pl.ds(rb, rows_per_sub)],
                        ox_hbm.at[c_id, pl.ds(rb, rows_per_sub)])

    return scat(mh, mx, dst2d, zh, zx)


def _node_mlp(node_feat, coordp, h0, h1, x0, x1, Wn1a, Wn1b, bn1, Wn2, bn2,
              bn, h, o):
    n = node_feat.shape[0]
    d = node_feat.shape[1]

    def body(nf_ref, cp_ref, h0_ref, h1_ref, x0_ref, x1_ref,
             wa_ref, wb_ref, b1_ref, w2_ref, b2_ref, hx_ref, co_ref):
        hn = h0_ref[...] + h1_ref[...]
        sx = x0_ref[...] + x1_ref[...]
        cnt = sx[:, 3:4]
        co_ref[...] = cp_ref[...] + sx / jnp.maximum(cnt, 1.0)
        z = (jnp.dot(nf_ref[...], wa_ref[...], preferred_element_type=jnp.float32)
             + jnp.dot(hn, wb_ref[...], preferred_element_type=jnp.float32)
             + b1_ref[...])
        z = z * jax.nn.sigmoid(z)
        hx_ref[...] = jnp.dot(z, w2_ref[...],
                              preferred_element_type=jnp.float32) + b2_ref[...]

    grid = (n // bn,)
    return pl.pallas_call(
        body,
        grid=grid,
        in_specs=[
            pl.BlockSpec((bn, d), lambda i: (i, 0)),
            pl.BlockSpec((bn, 16), lambda i: (i, 0)),
            pl.BlockSpec((bn, h), lambda i: (i, 0)),
            pl.BlockSpec((bn, h), lambda i: (i, 0)),
            pl.BlockSpec((bn, 16), lambda i: (i, 0)),
            pl.BlockSpec((bn, 16), lambda i: (i, 0)),
            pl.BlockSpec((d, h), lambda i: (0, 0)),
            pl.BlockSpec((h, h), lambda i: (0, 0)),
            pl.BlockSpec((1, h), lambda i: (0, 0)),
            pl.BlockSpec((h, o), lambda i: (0, 0)),
            pl.BlockSpec((1, o), lambda i: (0, 0)),
        ],
        out_specs=[
            pl.BlockSpec((bn, o), lambda i: (i, 0)),
            pl.BlockSpec((bn, 16), lambda i: (i, 0)),
        ],
        out_shape=[
            jax.ShapeDtypeStruct((n, o), jnp.float32),
            jax.ShapeDtypeStruct((n, 16), jnp.float32),
        ],
    )(node_feat, coordp, h0, h1, x0, x1, Wn1a, Wn1b, bn1, Wn2, bn2)


def kernel(node_feat, coord_feat, edge_index, edge_feat,
           We1, be1, We2, be2, Wc1, bc1, Wc2, Wn1, bn1, Wn2, bn2):
    n, d = node_feat.shape
    e = edge_index.shape[1]
    h = We2.shape[0]
    o = Wn2.shape[1]

    nchunk = _cdiv(e, CHUNK)
    nchunk_pad = _cdiv(nchunk, 2 * NW) * 2 * NW
    e_pad = nchunk_pad * CHUNK

    pad = jnp.zeros((2, e_pad - e), jnp.int32)
    eidx = jnp.concatenate([edge_index, pad], axis=1)
    src2d = eidx[0].reshape(nchunk_pad, CHUNK)
    dst2d = eidx[1].reshape(nchunk_pad, CHUNK)
    efp = jnp.concatenate(
        [edge_feat, jnp.zeros((e_pad - e, edge_feat.shape[1]), jnp.float32)],
        axis=0)

    coordp = jnp.concatenate(
        [coord_feat, jnp.zeros((n, 16 - coord_feat.shape[1]), jnp.float32)],
        axis=1)

    We1a = We1[:d]
    We1b = We1[d:2 * d]
    wr = We1[2 * d:2 * d + 1]
    We1e = We1[2 * d + 1:]

    t1, t2 = _build_tables(node_feat, coordp, We1a, be1.reshape(1, h), We1b,
                           bn=2000)
    gx = _gather_edges(t1, t2, src2d, dst2d, e_pad, d)
    mh, mx = _edge_mlp(gx, efp, wr, We1e, We2, be2.reshape(1, h),
                       Wc1, bc1.reshape(1, h), Wc2.reshape(1, h),
                       e=e, be=2048, h=h)
    zh = jnp.zeros((n, h), jnp.float32)
    zx = jnp.zeros((n, 16), jnp.float32)
    oh, ox = _scatter_edges(mh, mx, dst2d, zh, zx, n, e, e_pad, h)
    hx, co = _node_mlp(node_feat, coordp, oh[0], oh[1], ox[0], ox[1],
                       Wn1[:d], Wn1[d:], bn1.reshape(1, h), Wn2,
                       bn2.reshape(1, o), bn=2000, h=h, o=o)
    return hx, co[:, :coord_feat.shape[1]]

# --- scband reference (transcript-rebuilt; emitter-appended) ---
"""Pipeline reference for scband-graph-egnn-56169582297514 (READ-ONLY COPY).

The authoritative reference and input builder live on the scoring server;
editing this copy changes nothing except your own understanding.
"""

import jax, jax.numpy as jnp
import numpy as np

N = 10000
E = 320000
D = 128
H = 128
O = 128
ED = 16


def setup_inputs(seed: int = 0) -> dict:
    key = jax.random.key(seed)
    ks = jax.random.split(key, 16)
    node_feat = jax.random.normal(ks[0], (N, D), dtype=jnp.float32)
    coord_feat = jax.random.normal(ks[1], (N, 3), dtype=jnp.float32)
    edge_index = jax.random.randint(ks[2], (2, E), 0, N, dtype=jnp.int32)
    edge_feat = jax.random.normal(ks[3], (E, ED), dtype=jnp.float32)
    # edge_mlp: Linear(2D+ED+1 -> H), SiLU, Linear(H -> H), SiLU
    fe_in = 2 * D + ED + 1
    We1 = jax.random.normal(ks[4], (fe_in, H), dtype=jnp.float32) / np.sqrt(fe_in)
    be1 = jnp.zeros((H,), dtype=jnp.float32)
    We2 = jax.random.normal(ks[5], (H, H), dtype=jnp.float32) / np.sqrt(H)
    be2 = jnp.zeros((H,), dtype=jnp.float32)
    # coord_mlp: Linear(H -> H), SiLU, Linear(H -> 1, bias=False)
    Wc1 = jax.random.normal(ks[6], (H, H), dtype=jnp.float32) / np.sqrt(H)
    bc1 = jnp.zeros((H,), dtype=jnp.float32)
    Wc2 = jax.random.normal(ks[7], (H, 1), dtype=jnp.float32) / np.sqrt(H)
    # node_mlp: Linear(D+H -> H), SiLU, Linear(H -> O)
    Wn1 = jax.random.normal(ks[8], (D + H, H), dtype=jnp.float32) / np.sqrt(D + H)
    bn1 = jnp.zeros((H,), dtype=jnp.float32)
    Wn2 = jax.random.normal(ks[9], (H, O), dtype=jnp.float32) / np.sqrt(H)
    bn2 = jnp.zeros((O,), dtype=jnp.float32)
    return {"node_feat": node_feat, "coord_feat": coord_feat, "edge_index": edge_index,
            "edge_feat": edge_feat, "We1": We1, "be1": be1, "We2": We2, "be2": be2,
            "Wc1": Wc1, "bc1": bc1, "Wc2": Wc2, "Wn1": Wn1, "bn1": bn1, "Wn2": Wn2, "bn2": bn2}


def reference(node_feat, coord_feat, edge_index, edge_feat,
              We1, be1, We2, be2, Wc1, bc1, Wc2, Wn1, bn1, Wn2, bn2):
    src = edge_index[0]
    dst = edge_index[1]
    h_src = node_feat[src]
    h_dst = node_feat[dst]
    x_diff = coord_feat[src] - coord_feat[dst]
    radial = jnp.sum(x_diff * x_diff, axis=-1, keepdims=True)
    x_diff = x_diff / (jnp.sqrt(radial) + 1e-30)
    f = jnp.concatenate([h_src, h_dst, radial, edge_feat], axis=-1)
    msg_h = jax.nn.silu(f @ We1 + be1)
    msg_h = jax.nn.silu(msg_h @ We2 + be2)
    coef = jax.nn.silu(msg_h @ Wc1 + bc1) @ Wc2
    msg_x = coef * x_diff
    h_neigh = jax.ops.segment_sum(msg_h, dst, num_segments=N)
    sum_x = jax.ops.segment_sum(msg_x, dst, num_segments=N)
    cnt = jax.ops.segment_sum(jnp.ones((E, 1), dtype=jnp.float32), dst, num_segments=N)
    x_neigh = sum_x / jnp.maximum(cnt, 1.0)
    hcat = jnp.concatenate([node_feat, h_neigh], axis=-1)
    hx = jax.nn.silu(hcat @ Wn1 + bn1) @ Wn2 + bn2
    coord = coord_feat + x_neigh
    return hx, coord

if __name__ == "__main__":
    import jax
    _d = setup_inputs()
    print(jax.jit(kernel)(*tuple(_d.values())))

</pallas_src>

<mosaic_0001>
#map = affine_map<(d0, d1) -> (0, 0)>
module attributes {stable_mosaic.version = 14 : i64} {
  func.func @gath(%arg0: i32, %arg1: i32, %arg2: memref<10000x144xf32, #tpu.memory_space<hbm>>, %arg3: memref<10000x144xf32, #tpu.memory_space<hbm>>, %arg4: memref<2560x128xi32, #tpu.memory_space<hbm>>, %arg5: memref<2560x128xi32, #tpu.memory_space<hbm>>, %arg6: memref<327680x144xf32, #tpu.memory_space<hbm>>, %arg7: memref<80x128xi32, #tpu.memory_space<vmem>>, %arg8: memref<80x128xi32, #tpu.memory_space<vmem>>, %arg9: memref<2x128x144xf32, #tpu.memory_space<vmem>>, %arg10: memref<2x128x144xf32, #tpu.memory_space<vmem>>, %arg11: memref<!tpu.dma_semaphore, #tpu.memory_space<semaphore_mem>>, %arg12: memref<!tpu.dma_semaphore, #tpu.memory_space<semaphore_mem>>, %arg13: memref<!tpu.dma_semaphore, #tpu.memory_space<semaphore_mem>>, %arg14: memref<!tpu.dma_semaphore, #tpu.memory_space<semaphore_mem>>) attributes {dimension_semantics = [#tpu.dimension_semantics<core_parallel>, #tpu.dimension_semantics<subcore_parallel>], iteration_bounds = array<i64: 2, 16>, scalar_prefetch = 0 : i64, scratch_operands = 8 : i64, tpu.core_type = #tpu.core_type<sc_vector_subcore>, window_params = [{transform_indices = #map}, {transform_indices = #map}, {transform_indices = #map}, {transform_indices = #map}, {transform_indices = #map}]} {
    %mul3A = arith.constant 2 : i32
    %mul3A_0 = arith.muli %arg1, %mul3A : i32
    %add3A = arith.addi %mul3A_0, %arg0 : i32
    %mul3A_1 = arith.constant 80 : i32
    %mul3A_2 = arith.muli %add3A, %mul3A_1 : i32
    "tpu.region"() ({
      %run_scoped3A = tpu.sem_alloc : memref<!tpu.dma_semaphore, #tpu.memory_space<semaphore_mem>>
      %dma_start3A_54 = arith.constant 0 : i32
      %dma_start3A_55 = tpu.memref_slice %arg4[%mul3A_2, %dma_start3A_54] : memref<2560x128xi32, #tpu.memory_space<hbm>> -> memref<80x128xi32, #tpu.memory_space<hbm>>
      %dma_start3A_56 = arith.constant 0 : i32
      %dma_start3A_57 = tpu.memref_slice %arg4[%mul3A_2, %dma_start3A_56] : memref<2560x128xi32, #tpu.memory_space<hbm>> -> memref<80x128xi32, #tpu.memory_space<hbm>>
      tpu.enqueue_dma source(%dma_start3A_57 : memref<80x128xi32, #tpu.memory_space<hbm>>) target(%arg7 : memref<80x128xi32, #tpu.memory_space<vmem>>) target_semaphore(%run_scoped3A : memref<!tpu.dma_semaphore, #tpu.memory_space<semaphore_mem>>)
      %dma_wait3A = arith.constant 0 : i32
      %dma_wait3A_58 = tpu.memref_slice %arg4[%mul3A_2, %dma_wait3A] : memref<2560x128xi32, #tpu.memory_space<hbm>> -> memref<80x128xi32, #tpu.memory_space<hbm>>
      %dma_wait3A_59 = arith.constant 0 : i32
      %dma_wait3A_60 = tpu.memref_slice %arg4[%mul3A_2, %dma_wait3A_59] : memref<2560x128xi32, #tpu.memory_space<hbm>> -> memref<80x128xi32, #tpu.memory_space<hbm>>
      tpu.wait_dma2 semaphore(%run_scoped3A : memref<!tpu.dma_semaphore, #tpu.memory_space<semaphore_mem>>) src(%dma_wait3A_60 : memref<80x128xi32, #tpu.memory_space<hbm>>) dst(%arg7 : memref<80x128xi32, #tpu.memory_space<vmem>>)
      tpu.yield
    }) : () -> ()
    "tpu.region"() ({
      %run_scoped3A = tpu.sem_alloc : memref<!tpu.dma_semaphore, #tpu.memory_space<semaphore_mem>>
      %dma_start3A_54 = arith.constant 0 : i32
      %dma_start3A_55 = tpu.memref_slice %arg5[%mul3A_2, %dma_start3A_54] : memref<2560x128xi32, #tpu.memory_space<hbm>> -> memref<80x128xi32, #tpu.memory_space<hbm>>
      %dma_start3A_56 = arith.constant 0 : i32
      %dma_start3A_57 = tpu.memref_slice %arg5[%mul3A_2, %dma_start3A_56] : memref<2560x128xi32, #tpu.memory_space<hbm>> -> memref<80x128xi32, #tpu.memory_space<hbm>>
      tpu.enqueue_dma source(%dma_start3A_57 : memref<80x128xi32, #tpu.memory_space<hbm>>) target(%arg8 : memref<80x128xi32, #tpu.memory_space<vmem>>) target_semaphore(%run_scoped3A : memref<!tpu.dma_semaphore, #tpu.memory_space<semaphore_mem>>)
      %dma_wait3A = arith.constant 0 : i32
      %dma_wait3A_58 = tpu.memref_slice %arg5[%mul3A_2, %dma_wait3A] : memref<2560x128xi32, #tpu.memory_space<hbm>> -> memref<80x128xi32, #tpu.memory_space<hbm>>
      %dma_wait3A_59 = arith.constant 0 : i32
      %dma_wait3A_60 = tpu.memref_slice %arg5[%mul3A_2, %dma_wait3A_59] : memref<2560x128xi32, #tpu.memory_space<hbm>> -> memref<80x128xi32, #tpu.memory_space<hbm>>
      tpu.wait_dma2 semaphore(%run_scoped3A : memref<!tpu.dma_semaphore, #tpu.memory_space<semaphore_mem>>) src(%dma_wait3A_60 : memref<80x128xi32, #tpu.memory_space<hbm>>) dst(%arg8 : memref<80x128xi32, #tpu.memory_space<vmem>>)
      tpu.yield
    }) : () -> ()
    %dma_start3A = arith.constant 0 : i32
    %dma_start3A_3 = arith.constant 0 : i32
    %dma_start3A_4 = arith.constant 0 : i32
    %dma_start3A_5 = arith.constant 0 : i32
    %dma_start3A_6 = tpu.memref_slice %arg9[%dma_start3A_3, %dma_start3A_4, %dma_start3A_5] : memref<2x128x144xf32, #tpu.memory_space<vmem>> -> memref<1x128x144xf32, #tpu.memory_space<vmem>>
    %dma_start3A_7 = tpu.memref_squeeze %dma_start3A_6 : memref<1x128x144xf32, #tpu.memory_space<vmem>> -> memref<128x144xf32, #tpu.memory_space<vmem>>
    %dma_start3A_8 = arith.constant 0 : i32
    %dma_start3A_9 = tpu.memref_slice %arg7[%dma_start3A, %dma_start3A_8] : memref<80x128xi32, #tpu.memory_space<vmem>> -> memref<1x128xi32, #tpu.memory_space<vmem>>
    %dma_start3A_10 = tpu.memref_squeeze %dma_start3A_9 : memref<1x128xi32, #tpu.memory_space<vmem>> -> memref<128xi32, #tpu.memory_space<vmem>>
    %dma_start3A_11 = arith.constant 0 : i32
    %dma_start3A_12 = arith.constant 0 : i32
    %dma_start3A_13 = tpu.memref_slice %arg2[%dma_start3A_11, %dma_start3A_12] : memref<10000x144xf32, #tpu.memory_space<hbm>> -> memref<10000x144xf32, #tpu.memory_space<hbm>>
    tpu.enqueue_indirect_dma source(%dma_start3A_13 : memref<10000x144xf32, #tpu.memory_space<hbm>>) target(%dma_start3A_7 : memref<128x144xf32, #tpu.memory_space<vmem>>) offsets(%dma_start3A_10 : memref<128xi32, #tpu.memory_space<vmem>>) semaphore(%arg11 : memref<!tpu.dma_semaphore, #tpu.memory_space<semaphore_mem>>)
    %dma_start3A_14 = arith.constant 0 : i32
    %dma_start3A_15 = arith.constant 0 : i32
    %dma_start3A_16 = arith.constant 0 : i32
    %dma_start3A_17 = arith.constant 0 : i32
    %dma_start3A_18 = tpu.memref_slice %arg10[%dma_start3A_15, %dma_start3A_16, %dma_start3A_17] : memref<2x128x144xf32, #tpu.memory_space<vmem>> -> memref<1x128x144xf32, #tpu.memory_space<vmem>>
    %dma_start3A_19 = tpu.memref_squeeze %dma_start3A_18 : memref<1x128x144xf32, #tpu.memory_space<vmem>> -> memref<128x144xf32, #tpu.memory_space<vmem>>
    %dma_start3A_20 = arith.constant 0 : i32
    %dma_start3A_21 = tpu.memref_slice %arg8[%dma_start3A_14, %dma_start3A_20] : memref<80x128xi32, #tpu.memory_space<vmem>> -> memref<1x128xi32, #tpu.memory_space<vmem>>
    %dma_start3A_22 = tpu.memref_squeeze %dma_start3A_21 : memref<1x128xi32, #tpu.memory_space<vmem>> -> memref<128xi32, #tpu.memory_space<vmem>>
    %dma_start3A_23 = arith.constant 0 : i32
    %dma_start3A_24 = arith.constant 0 : i32
    %dma_start3A_25 = tpu.memref_slice %arg3[%dma_start3A_23, %dma_start3A_24] : memref<10000x144xf32, #tpu.memory_space<hbm>> -> memref<10000x144xf32, #tpu.memory_space<hbm>>
    tpu.enqueue_indirect_dma source(%dma_start3A_25 : memref<10000x144xf32, #tpu.memory_space<hbm>>) target(%dma_start3A_19 : memref<128x144xf32, #tpu.memory_space<vmem>>) offsets(%dma_start3A_22 : memref<128xi32, #tpu.memory_space<vmem>>) semaphore(%arg13 : memref<!tpu.dma_semaphore, #tpu.memory_space<semaphore_mem>>)
    %dma_start3A_26 = arith.constant 1 : i32
    %dma_start3A_27 = arith.constant 1 : i32
    %dma_start3A_28 = arith.constant 0 : i32
    %dma_start3A_29 = arith.constant 0 : i32
    %dma_start3A_30 = tpu.memref_slice %arg9[%dma_start3A_27, %dma_start3A_28, %dma_start3A_29] : memref<2x128x144xf32, #tpu.memory_space<vmem>> -> memref<1x128x144xf32, #tpu.memory_space<vmem>>
    %dma_start3A_31 = tpu.memref_squeeze %dma_start3A_30 : memref<1x128x144xf32, #tpu.memory_space<vmem>> -> memref<128x144xf32, #tpu.memory_space<vmem>>
    %dma_start3A_32 = arith.constant 0 : i32
    %dma_start3A_33 = tpu.memref_slice %arg7[%dma_start3A_26, %dma_start3A_32] : memref<80x128xi32, #tpu.memory_space<vmem>> -> memref<1x128xi32, #tpu.memory_space<vmem>>
    %dma_start3A_34 = tpu.memref_squeeze %dma_start3A_33 : memref<1x128xi32, #tpu.memory_space<vmem>> -> memref<128xi32, #tpu.memory_space<vmem>>
    %dma_start3A_35 = arith.constant 0 : i32
    %dma_start3A_36 = arith.constant 0 : i32
    %dma_start3A_37 = tpu.memref_slice %arg2[%dma_start3A_35, %dma_start3A_36] : memref<10000x144xf32, #tpu.memory_space<hbm>> -> memref<10000x144xf32, #tpu.memory_space<hbm>>
    tpu.enqueue_indirect_dma source(%dma_start3A_37 : memref<10000x144xf32, #tpu.memory_space<hbm>>) target(%dma_start3A_31 : memref<128x144xf32, #tpu.memory_space<vmem>>) offsets(%dma_start3A_34 : memref<128xi32, #tpu.memory_space<vmem>>) semaphore(%arg12 : memref<!tpu.dma_semaphore, #tpu.memory_space<semaphore_mem>>)
    %dma_start3A_38 = arith.constant 1 : i32
    %dma_start3A_39 = arith.constant 1 : i32
    %dma_start3A_40 = arith.constant 0 : i32
    %dma_start3A_41 = arith.constant 0 : i32
    %dma_start3A_42 = tpu.memref_slice %arg10[%dma_start3A_39, %dma_start3A_40, %dma_start3A_41] : memref<2x128x144xf32, #tpu.memory_space<vmem>> -> memref<1x128x144xf32, #tpu.memory_space<vmem>>
    %dma_start3A_43 = tpu.memref_squeeze %dma_start3A_42 : memref<1x128x144xf32, #tpu.memory_space<vmem>> -> memref<128x144xf32, #tpu.memory_space<vmem>>
    %dma_start3A_44 = arith.constant 0 : i32
    %dma_start3A_45 = tpu.memref_slice %arg8[%dma_start3A_38, %dma_start3A_44] : memref<80x128xi32, #tpu.memory_space<vmem>> -> memref<1x128xi32, #tpu.memory_space<vmem>>
    %dma_start3A_46 = tpu.memref_squeeze %dma_start3A_45 : memref<1x128xi32, #tpu.memory_space<vmem>> -> memref<128xi32, #tpu.memory_space<vmem>>
    %dma_start3A_47 = arith.constant 0 : i32
    %dma_start3A_48 = arith.constant 0 : i32
    %dma_start3A_49 = tpu.memref_slice %arg3[%dma_start3A_47, %dma_start3A_48] : memref<10000x144xf32, #tpu.memory_space<hbm>> -> memref<10000x144xf32, #tpu.memory_space<hbm>>
    tpu.enqueue_indirect_dma source(%dma_start3A_49 : memref<10000x144xf32, #tpu.memory_space<hbm>>) target(%dma_start3A_43 : memref<128x144xf32, #tpu.memory_space<vmem>>) offsets(%dma_start3A_46 : memref<128xi32, #tpu.memory_space<vmem>>) semaphore(%arg14 : memref<!tpu.dma_semaphore, #tpu.memory_space<semaphore_mem>>)
    %scan3A = arith.constant 0 : i32
    %scan3A_50 = arith.constant 40 : i32
    %scan3A_51 = arith.addi %scan3A, %scan3A_50 : i32
    %scan3A_52 = arith.constant 1 : i32
    scf.for %scan3A_54 = %scan3A to %scan3A_51 step %scan3A_52  : i32 {
      %mul3A_55 = arith.constant 1 : i32
      %mul3A_56 = arith.muli %scan3A_54, %mul3A_55 : i32
      %add3A_57 = arith.constant 0 : i32
      %add3A_58 = arith.addi %add3A_57, %mul3A_56 : i32
      %mul3A_59 = arith.constant 2 : i32
      %mul3A_60 = arith.muli %mul3A_59, %add3A_58 : i32
      %add3A_61 = arith.constant 0 : i32
      %add3A_62 = arith.addi %mul3A_60, %add3A_61 : i32
      %lt3A = arith.constant 80 : i32
      %lt3A_63 = arith.cmpi slt, %add3A_62, %lt3A : i32
      %convert_element_type3A = arith.extui %lt3A_63 : i1 to i32
      %cond3A = arith.constant 0 : i32
      %cond3A_64 = arith.cmpi ne, %convert_element_type3A, %cond3A : i32
      scf.if %cond3A_64 {
        %dma_wait3A = arith.constant 0 : i32
        %dma_wait3A_74 = arith.constant 0 : i32
        %dma_wait3A_75 = arith.constant 0 : i32
        %dma_wait3A_76 = arith.constant 0 : i32
        %dma_wait3A_77 = tpu.memref_slice %arg9[%dma_wait3A_74, %dma_wait3A_75, %dma_wait3A_76] : memref<2x128x144xf32, #tpu.memory_space<vmem>> -> memref<1x128x144xf32, #tpu.memory_space<vmem>>
        %dma_wait3A_78 = tpu.memref_squeeze %dma_wait3A_77 : memref<1x128x144xf32, #tpu.memory_space<vmem>> -> memref<128x144xf32, #tpu.memory_space<vmem>>
        %dma_wait3A_79 = arith.constant 0 : i32
        %dma_wait3A_80 = tpu.memref_slice %arg7[%dma_wait3A, %dma_wait3A_79] : memref<80x128xi32, #tpu.memory_space<vmem>> -> memref<1x128xi32, #tpu.memory_space<vmem>>
        %dma_wait3A_81 = tpu.memref_squeeze %dma_wait3A_80 : memref<1x128xi32, #tpu.memory_space<vmem>> -> memref<128xi32, #tpu.memory_space<vmem>>
        %dma_wait3A_82 = arith.constant 0 : i32
        %dma_wait3A_83 = arith.constant 0 : i32
        %dma_wait3A_84 = tpu.memref_slice %arg2[%dma_wait3A_82, %dma_wait3A_83] : memref<10000x144xf32, #tpu.memory_space<hbm>> -> memref<10000x144xf32, #tpu.memory_space<hbm>>
        tpu.wait_indirect_dma semaphore(%arg11 : memref<!tpu.dma_semaphore, #tpu.memory_space<semaphore_mem>>) src(%dma_wait3A_84 : memref<10000x144xf32, #tpu.memory_space<hbm>>) dst(%dma_wait3A_78 : memref<128x144xf32, #tpu.memory_space<vmem>>)
        %dma_wait3A_85 = arith.constant 0 : i32
        %dma_wait3A_86 = arith.constant 0 : i32
        %dma_wait3A_87 = arith.constant 0 : i32
        %dma_wait3A_88 = arith.constant 0 : i32
        %dma_wait3A_89 = tpu.memref_slice %arg10[%dma_wait3A_86, %dma_wait3A_87, %dma_wait3A_88] : memref<2x128x144xf32, #tpu.memory_space<vmem>> -> memref<1x128x144xf32, #tpu.memory_space<vmem>>
        %dma_wait3A_90 = tpu.memref_squeeze %dma_wait3A_89 : memref<1x128x144xf32, #tpu.memory_space<vmem>> -> memref<128x144xf32, #tpu.memory_space<vmem>>
        %dma_wait3A_91 = arith.constant 0 : i32
        %dma_wait3A_92 = tpu.memref_slice %arg8[%dma_wait3A_85, %dma_wait3A_91] : memref<80x128xi32, #tpu.memory_space<vmem>> -> memref<1x128xi32, #tpu.memory_space<vmem>>
        %dma_wait3A_93 = tpu.memref_squeeze %dma_wait3A_92 : memref<1x128xi32, #tpu.memory_space<vmem>> -> memref<128xi32, #tpu.memory_space<vmem>>
        %dma_wait3A_94 = arith.constant 0 : i32
        %dma_wait3A_95 = arith.constant 0 : i32
        %dma_wait3A_96 = tpu.memref_slice %arg3[%dma_wait3A_94, %dma_wait3A_95] : memref<10000x144xf32, #tpu.memory_space<hbm>> -> memref<10000x144xf32, #tpu.memory_space<hbm>>
        tpu.wait_indirect_dma semaphore(%arg13 : memref<!tpu.dma_semaphore, #tpu.memory_space<semaphore_mem>>) src(%dma_wait3A_96 : memref<10000x144xf32, #tpu.memory_space<hbm>>) dst(%dma_wait3A_90 : memref<128x144xf32, #tpu.memory_space<vmem>>)
        %scan3A_97 = arith.constant 0 : i32
        %scan3A_98 = arith.constant 128 : i32
        %scan3A_99 = arith.addi %scan3A_97, %scan3A_98 : i32
        %scan3A_100 = arith.constant 1 : i32
        scf.for %scan3A_112 = %scan3A_97 to %scan3A_99 step %scan3A_100  : i32 {
          %mul3A_113 = arith.constant 1 : i32
          %mul3A_114 = arith.muli %scan3A_112, %mul3A_113 : i32
          %add3A_115 = arith.constant 0 : i32
          %add3A_116 = arith.addi %add3A_115, %mul3A_114 : i32
          %get3A = arith.constant 0 : i32
          %get3A_117 = arith.index_cast %get3A : i32 to index
          %get3A_118 = arith.index_cast %add3A_116 : i32 to index
          %get3A_119 = arith.constant 0 : index
          %get3A_120 = tpu.vector_load %arg9[%get3A_117, %get3A_118, %get3A_119] {strides = array<i32>} : memref<2x128x144xf32, #tpu.memory_space<vmem>>, vector<1x1x16xf32>,
          %get3A_121 = vector.shape_cast %get3A_120 : vector<1x1x16xf32> to vector<1x16xf32>
          %get3A_122 = arith.constant 0 : i32
          %get3A_123 = arith.index_cast %get3A_122 : i32 to index
          %get3A_124 = arith.index_cast %add3A_116 : i32 to index
          %get3A_125 = arith.constant 0 : index
          %get3A_126 = tpu.vector_load %arg10[%get3A_123, %get3A_124, %get3A_125] {strides = array<i32>} : memref<2x128x144xf32, #tpu.memory_space<vmem>>, vector<1x1x16xf32>,
          %get3A_127 = vector.shape_cast %get3A_126 : vector<1x1x16xf32> to vector<1x16xf32>
          %add3A_128 = arith.addf %get3A_121, %get3A_127 : vector<1x16xf32>
          %swap3A = arith.constant 0 : i32
          %swap3A_129 = arith.index_cast %swap3A : i32 to index
          %swap3A_130 = arith.index_cast %add3A_116 : i32 to index
          %swap3A_131 = arith.constant 0 : index
          %swap3A_132 = tpu.vector_load %arg9[%swap3A_129, %swap3A_130, %swap3A_131] {strides = array<i32>} : memref<2x128x144xf32, #tpu.memory_space<vmem>>, vector<1x1x16xf32>,
          %swap3A_133 = vector.shape_cast %swap3A_132 : vector<1x1x16xf32> to vector<1x16xf32>
          %swap3A_134 = vector.shape_cast %add3A_128 : vector<1x16xf32> to vector<1x1x16xf32>
          tpu.vector_store %arg9[%swap3A_129, %swap3A_130, %swap3A_131], %swap3A_134 {strides = array<i32>} : memref<2x128x144xf32, #tpu.memory_space<vmem>>, vector<1x1x16xf32>,
          %get3A_135 = arith.constant 0 : i32
          %get3A_136 = arith.index_cast %get3A_135 : i32 to index
          %get3A_137 = arith.index_cast %add3A_116 : i32 to index
          %get3A_138 = arith.constant 16 : index
          %get3A_139 = tpu.vector_load %arg9[%get3A_136, %get3A_137, %get3A_138] {strides = array<i32>} : memref<2x128x144xf32, #tpu.memory_space<vmem>>, vector<1x1x16xf32>,
          %get3A_140 = vector.shape_cast %get3A_139 : vector<1x1x16xf32> to vector<1x16xf32>
          %get3A_141 = arith.constant 0 : i32
          %get3A_142 = arith.index_cast %get3A_141 : i32 to index
          %get3A_143 = arith.index_cast %add3A_116 : i32 to index
          %get3A_144 = arith.constant 16 : index
          %get3A_145 = tpu.vector_load %arg10[%get3A_142, %get3A_143, %get3A_144] {strides = array<i32>} : memref<2x128x144xf32, #tpu.memory_space<vmem>>, vector<1x1x16xf32>,
          %get3A_146 = vector.shape_cast %get3A_145 : vector<1x1x16xf32> to vector<1x16xf32>
          %add3A_147 = arith.addf %get3A_140, %get3A_146 : vector<1x16xf32>
          %swap3A_148 = arith.constant 0 : i32
          %swap3A_149 = arith.index_cast %swap3A_148 : i32 to index
          %swap3A_150 = arith.index_cast %add3A_116 : i32 to index
          %swap3A_151 = arith.constant 16 : index
          %swap3A_152 = tpu.vector_load %arg9[%swap3A_149, %swap3A_150, %swap3A_151] {strides = array<i32>} : memref<2x128x144xf32, #tpu.memory_space<vmem>>, vector<1x1x16xf32>,
          %swap3A_153 = vector.shape_cast %swap3A_152 : vector<1x1x16xf32> to vector<1x16xf32>
          %swap3A_154 = vector.shape_cast %add3A_147 : vector<1x16xf32> to vector<1x1x16xf32>
          tpu.vector_store %arg9[%swap3A_149, %swap3A_150, %swap3A_151], %swap3A_154 {strides = array<i32>} : memref<2x128x144xf32, #tpu.memory_space<vmem>>, vector<1x1x16xf32>,
          %get3A_155 = arith.constant 0 : i32
          %get3A_156 = arith.index_cast %get3A_155 : i32 to index
          %get3A_157 = arith.index_cast %add3A_116 : i32 to index
          %get3A_158 = arith.constant 32 : index
          %get3A_159 = tpu.vector_load %arg9[%get3A_156, %get3A_157, %get3A_158] {strides = array<i32>} : memref<2x128x144xf32, #tpu.memory_space<vmem>>, vector<1x1x16xf32>,
          %get3A_160 = vector.shape_cast %get3A_159 : vector<1x1x16xf32> to vector<1x16xf32>
          %get3A_161 = arith.constant 0 : i32
          %get3A_162 = arith.index_cast %get3A_161 : i32 to index
          %get3A_163 = arith.index_cast %add3A_116 : i32 to index
          %get3A_164 = arith.constant 32 : index
          %get3A_165 = tpu.vector_load %arg10[%get3A_162, %get3A_163, %get3A_164] {strides = array<i32>} : memref<2x128x144xf32, #tpu.memory_space<vmem>>, vector<1x1x16xf32>,
          %get3A_166 = vector.shape_cast %get3A_165 : vector<1x1x16xf32> to vector<1x16xf32>
          %add3A_167 = arith.addf %get3A_160, %get3A_166 : vector<1x16xf32>
          %swap3A_168 = arith.constant 0 : i32
          %swap3A_169 = arith.index_cast %swap3A_168 : i32 to index
          %swap3A_170 = arith.index_cast %add3A_116 : i32 to index
          %swap3A_171 = arith.constant 32 : index
          %swap3A_172 = tpu.vector_load %arg9[%swap3A_169, %swap3A_170, %swap3A_171] {strides = array<i32>} : memref<2x128x144xf32, #tpu.memory_space<vmem>>, vector<1x1x16xf32>,
          %swap3A_173 = vector.shape_cast %swap3A_172 : vector<1x1x16xf32> to vector<1x16xf32>
          %swap3A_174 = vector.shape_cast %add3A_167 : vector<1x16xf32> to vector<1x1x16xf32>
          tpu.vector_store %arg9[%swap3A_169, %swap3A_170, %swap3A_171], %swap3A_174 {strides = array<i32>} : memref<2x128x144xf32, #tpu.memory_space<vmem>>, vector<1x1x16xf32>,
          %get3A_175 = arith.constant 0 : i32
          %get3A_176 = arith.index_cast %get3A_175 : i32 to index
          %get3A_177 = arith.index_cast %add3A_116 : i32 to index
          %get3A_178 = arith.constant 48 : index
          %get3A_179 = tpu.vector_load %arg9[%get3A_176, %get3A_177, %get3A_178] {strides = array<i32>} : memref<2x128x144xf32, #tpu.memory_space<vmem>>, vector<1x1x16xf32>,
          %get3A_180 = vector.shape_cast %get3A_179 : vector<1x1x16xf32> to vector<1x16xf32>
          %get3A_181 = arith.constant 0 : i32
          %get3A_182 = arith.index_cast %get3A_181 : i32 to index
          %get3A_183 = arith.index_cast %add3A_116 : i32 to index
          %get3A_184 = arith.constant 48 : index
          %get3A_185 = tpu.vector_load %arg10[%get3A_182, %get3A_183, %get3A_184] {strides = array<i32>} : memref<2x128x144xf32, #tpu.memory_space<vmem>>, vector<1x1x16xf32>,
          %get3A_186 = vector.shape_cast %get3A_185 : vector<1x1x16xf32> to vector<1x16xf32>
          %add3A_187 = arith.addf %get3A_180, %get3A_186 : vector<1x16xf32>
          %swap3A_188 = arith.constant 0 : i32
          %swap3A_189 = arith.index_cast %swap3A_188 : i32 to index
          %swap3A_190 = arith.index_cast %add3A_116 : i32 to index
          %swap3A_191 = arith.constant 48 : index
          %swap3A_192 = tpu.vector_load %arg9[%swap3A_189, %swap3A_190, %swap3A_191] {strides = array<i32>} : memref<2x128x144xf32, #tpu.memory_space<vmem>>, vector<1x1x16xf32>,
          %swap3A_193 = vector.shape_cast %swap3A_192 : vector<1x1x16xf32> to vector<1x16xf32>
          %swap3A_194 = vector.shape_cast %add3A_187 : vector<1x16xf32> to vector<1x1x16xf32>
          tpu.vector_store %arg9[%swap3A_189, %swap3A_190, %swap3A_191], %swap3A_194 {strides = array<i32>} : memref<2x128x144xf32, #tpu.memory_space<vmem>>, vector<1x1x16xf32>,
          %get3A_195 = arith.constant 0 : i32
          %get3A_196 = arith.index_cast %get3A_195 : i32 to index
          %get3A_197 = arith.index_cast %add3A_116 : i32 to index
          %get3A_198 = arith.constant 64 : index
          %get3A_199 = tpu.vector_load %arg9[%get3A_196, %get3A_197, %get3A_198] {strides = array<i32>} : memref<2x128x144xf32, #tpu.memory_space<vmem>>, vector<1x1x16xf32>,
          %get3A_200 = vector.shape_cast %get3A_199 : vector<1x1x16xf32> to vector<1x16xf32>
          %get3A_201 = arith.constant 0 : i32
          %get3A_202 = arith.index_cast %get3A_201 : i32 to index
          %get3A_203 = arith.index_cast %add3A_116 : i32 to index
          %get3A_204 = arith.constant 64 : index
          %get3A_205 = tpu.vector_load %arg10[%get3A_202, %get3A_203, %get3A_204] {strides = array<i32>} : memref<2x128x144xf32, #tpu.memory_space<vmem>>, vector<1x1x16xf32>,
          %get3A_206 = vector.shape_cast %get3A_205 : vector<1x1x16xf32> to vector<1x16xf32>
          %add3A_207 = arith.addf %get3A_200, %get3A_206 : vector<1x16xf32>
          %swap3A_208 = arith.constant 0 : i32
          %swap3A_209 = arith.index_cast %swap3A_208 : i32 to index
          %swap3A_210 = arith.index_cast %add3A_116 : i32 to index
          %swap3A_211 = arith.constant 64 : index
          %swap3A_212 = tpu.vector_load %arg9[%swap3A_209, %swap3A_210, %swap3A_211] {strides = array<i32>} : memref<2x128x144xf32, #tpu.memory_space<vmem>>, vector<1x1x16xf32>,
          %swap3A_213 = vector.shape_cast %swap3A_212 : vector<1x1x16xf32> to vector<1x16xf32>
          %swap3A_214 = vector.shape_cast %add3A_207 : vector<1x16xf32> to vector<1x1x16xf32>
          tpu.vector_store %arg9[%swap3A_209, %swap3A_210, %swap3A_211], %swap3A_214 {strides = array<i32>} : memref<2x128x144xf32, #tpu.memory_space<vmem>>, vector<1x1x16xf32>,
          %get3A_215 = arith.constant 0 : i32
          %get3A_216 = arith.index_cast %get3A_215 : i32 to index
          %get3A_217 = arith.index_cast %add3A_116 : i32 to index
          %get3A_218 = arith.constant 80 : index
          %get3A_219 = tpu.vector_load %arg9[%get3A_216, %get3A_217, %get3A_218] {strides = array<i32>} : memref<2x128x144xf32, #tpu.memory_space<vmem>>, vector<1x1x16xf32>,
          %get3A_220 = vector.shape_cast %get3A_219 : vector<1x1x16xf32> to vector<1x16xf32>
          %get3A_221 = arith.constant 0 : i32
          %get3A_222 = arith.index_cast %get3A_221 : i32 to index
          %get3A_223 = arith.index_cast %add3A_116 : i32 to index
          %get3A_224 = arith.constant 80 : index
          %get3A_225 = tpu.vector_load %arg10[%get3A_222, %get3A_223, %get3A_224] {strides = array<i32>} : memref<2x128x144xf32, #tpu.memory_space<vmem>>, vector<1x1x16xf32>,
          %get3A_226 = vector.shape_cast %get3A_225 : vector<1x1x16xf32> to vector<1x16xf32>
          %add3A_227 = arith.addf %get3A_220, %get3A_226 : vector<1x16xf32>
          %swap3A_228 = arith.constant 0 : i32
          %swap3A_229 = arith.index_cast %swap3A_228 : i32 to index
          %swap3A_230 = arith.index_cast %add3A_116 : i32 to index
          %swap3A_231 = arith.constant 80 : index
          %swap3A_232 = tpu.vector_load %arg9[%swap3A_229, %swap3A_230, %swap3A_231] {strides = array<i32>} : memref<2x128x144xf32, #tpu.memory_space<vmem>>, vector<1x1x16xf32>,
          %swap3A_233 = vector.shape_cast %swap3A_232 : vector<1x1x16xf32> to vector<1x16xf32>
          %swap3A_234 = vector.shape_cast %add3A_227 : vector<1x16xf32> to vector<1x1x16xf32>
          tpu.vector_store %arg9[%swap3A_229, %swap3A_230, %swap3A_231], %swap3A_234 {strides = array<i32>} : memref<2x128x144xf32, #tpu.memory_space<vmem>>, vector<1x1x16xf32>,
          %get3A_235 = arith.constant 0 : i32
          %get3A_236 = arith.index_cast %get3A_235 : i32 to index
          %get3A_237 = arith.index_cast %add3A_116 : i32 to index
          %get3A_238 = arith.constant 96 : index
          %get3A_239 = tpu.vector_load %arg9[%get3A_236, %get3A_237, %get3A_238] {strides = array<i32>} : memref<2x128x144xf32, #tpu.memory_space<vmem>>, vector<1x1x16xf32>,
          %get3A_240 = vector.shape_cast %get3A_239 : vector<1x1x16xf32> to vector<1x16xf32>
          %get3A_241 = arith.constant 0 : i32
          %get3A_242 = arith.index_cast %get3A_241 : i32 to index
          %get3A_243 = arith.index_cast %add3A_116 : i32 to index
          %get3A_244 = arith.constant 96 : index
          %get3A_245 = tpu.vector_load %arg10[%get3A_242, %get3A_243, %get3A_244] {strides = array<i32>} : memref<2x128x144xf32, #tpu.memory_space<vmem>>, vector<1x1x16xf32>,
          %get3A_246 = vector.shape_cast %get3A_245 : vector<1x1x16xf32> to vector<1x16xf32>
          %add3A_247 = arith.addf %get3A_240, %get3A_246 : vector<1x16xf32>
          %swap3A_248 = arith.constant 0 : i32
          %swap3A_249 = arith.index_cast %swap3A_248 : i32 to index
          %swap3A_250 = arith.index_cast %add3A_116 : i32 to index
          %swap3A_251 = arith.constant 96 : index
          %swap3A_252 = tpu.vector_load %arg9[%swap3A_249, %swap3A_250, %swap3A_251] {strides = array<i32>} : memref<2x128x144xf32, #tpu.memory_space<vmem>>, vector<1x1x16xf32>,
          %swap3A_253 = vector.shape_cast %swap3A_252 : vector<1x1x16xf32> to vector<1x16xf32>
          %swap3A_254 = vector.shape_cast %add3A_247 : vector<1x16xf32> to vector<1x1x16xf32>
          tpu.vector_store %arg9[%swap3A_249, %swap3A_250, %swap3A_251], %swap3A_254 {strides = array<i32>} : memref<2x128x144xf32, #tpu.memory_space<vmem>>, vector<1x1x16xf32>,
          %get3A_255 = arith.constant 0 : i32
          %get3A_256 = arith.index_cast %get3A_255 : i32 to index
          %get3A_257 = arith.index_cast %add3A_116 : i32 to index
          %get3A_258 = arith.constant 112 : index
          %get3A_259 = tpu.vector_load %arg9[%get3A_256, %get3A_257, %get3A_258] {strides = array<i32>} : memref<2x128x144xf32, #tpu.memory_space<vmem>>, vector<1x1x16xf32>,
          %get3A_260 = vector.shape_cast %get3A_259 : vector<1x1x16xf32> to vector<1x16xf32>
          %get3A_261 = arith.constant 0 : i32
          %get3A_262 = arith.index_cast %get3A_261 : i32 to index
          %get3A_263 = arith.index_cast %add3A_116 : i32 to index
          %get3A_264 = arith.constant 112 : index
          %get3A_265 = tpu.vector_load %arg10[%get3A_262, %get3A_263, %get3A_264] {strides = array<i32>} : memref<2x128x144xf32, #tpu.memory_space<vmem>>, vector<1x1x16xf32>,
          %get3A_266 = vector.shape_cast %get3A_265 : vector<1x1x16xf32> to vector<1x16xf32>
          %add3A_267 = arith.addf %get3A_260, %get3A_266 : vector<1x16xf32>
          %swap3A_268 = arith.constant 0 : i32
          %swap3A_269 = arith.index_cast %swap3A_268 : i32 to index
          %swap3A_270 = arith.index_cast %add3A_116 : i32 to index
          %swap3A_271 = arith.constant 112 : index
          %swap3A_272 = tpu.vector_load %arg9[%swap3A_269, %swap3A_270, %swap3A_271] {strides = array<i32>} : memref<2x128x144xf32, #tpu.memory_space<vmem>>, vector<1x1x16xf32>,
          %swap3A_273 = vector.shape_cast %swap3A_272 : vector<1x1x16xf32> to vector<1x16xf32>
          %swap3A_274 = vector.shape_cast %add3A_267 : vector<1x16xf32> to vector<1x1x16xf32>
          tpu.vector_store %arg9[%swap3A_269, %swap3A_270, %swap3A_271], %swap3A_274 {strides = array<i32>} : memref<2x128x144xf32, #tpu.memory_space<vmem>>, vector<1x1x16xf32>,
          %get3A_275 = arith.constant 0 : i32
          %get3A_276 = arith.index_cast %get3A_275 : i32 to index
          %get3A_277 = arith.index_cast %add3A_116 : i32 to index
          %get3A_278 = arith.constant 128 : index
          %get3A_279 = tpu.vector_load %arg9[%get3A_276, %get3A_277, %get3A_278] {strides = array<i32>} : memref<2x128x144xf32, #tpu.memory_space<vmem>>, vector<1x1x16xf32>,
          %get3A_280 = vector.shape_cast %get3A_279 : vector<1x1x16xf32> to vector<1x16xf32>
          %get3A_281 = arith.constant 0 : i32
          %get3A_282 = arith.index_cast %get3A_281 : i32 to index
          %get3A_283 = arith.index_cast %add3A_116 : i32 to index
          %get3A_284 = arith.constant 128 : index
          %get3A_285 = tpu.vector_load %arg10[%get3A_282, %get3A_283, %get3A_284] {strides = array<i32>} : memref<2x128x144xf32, #tpu.memory_space<vmem>>, vector<1x1x16xf32>,
          %get3A_286 = vector.shape_cast %get3A_285 : vector<1x1x16xf32> to vector<1x16xf32>
          %sub3A = arith.subf %get3A_280, %get3A_286 : vector<1x16xf32>
          %swap3A_287 = arith.constant 0 : i32
          %swap3A_288 = arith.index_cast %swap3A_287 : i32 to index
          %swap3A_289 = arith.index_cast %add3A_116 : i32 to index
          %swap3A_290 = arith.constant 128 : index
          %swap3A_291 = tpu.vector_load %arg9[%swap3A_288, %swap3A_289, %swap3A_290] {strides = array<i32>} : memref<2x128x144xf32, #tpu.memory_space<vmem>>, vector<1x1x16xf32>,
          %swap3A_292 = vector.shape_cast %swap3A_291 : vector<1x1x16xf32> to vector<1x16xf32>
          %swap3A_293 = vector.shape_cast %sub3A : vector<1x16xf32> to vector<1x1x16xf32>
          tpu.vector_store %arg9[%swap3A_288, %swap3A_289, %swap3A_290], %swap3A_293 {strides = array<i32>} : memref<2x128x144xf32, #tpu.memory_space<vmem>>, vector<1x1x16xf32>,
        }
        %scan3A_101 = arith.constant 128 : i32
        %add3A_102 = arith.addi %mul3A_2, %add3A_62 : i32
        %mul3A_103 = arith.constant 128 : i32
        %mul3A_104 = arith.muli %add3A_102, %mul3A_103 : i32
        %run_scoped3A = arith.constant 0 : i32
        "tpu.region"() ({
          %run_scoped3A_112 = tpu.sem_alloc : memref<!tpu.dma_semaphore, #tpu.memory_space<semaphore_mem>>
          %dma_start3A_113 = arith.constant 0 : i32
          %dma_start3A_114 = arith.constant 0 : i32
          %dma_start3A_115 = tpu.memref_slice %arg9[%run_scoped3A, %dma_start3A_113, %dma_start3A_114] : memref<2x128x144xf32, #tpu.memory_space<vmem>> -> memref<1x128x144xf32, #tpu.memory_space<vmem>>
          %dma_start3A_116 = tpu.memref_squeeze %dma_start3A_115 : memref<1x128x144xf32, #tpu.memory_space<vmem>> -> memref<128x144xf32, #tpu.memory_space<vmem>>
          %dma_start3A_117 = arith.constant 0 : i32
          %dma_start3A_118 = tpu.memref_slice %arg6[%mul3A_104, %dma_start3A_117] : memref<327680x144xf32, #tpu.memory_space<hbm>> -> memref<128x144xf32, #tpu.memory_space<hbm>>
          %dma_start3A_119 = arith.constant 0 : i32
          %dma_start3A_120 = tpu.memref_slice %arg6[%mul3A_104, %dma_start3A_119] : memref<327680x144xf32, #tpu.memory_space<hbm>> -> memref<128x144xf32, #tpu.memory_space<hbm>>
          %dma_start3A_121 = arith.constant 0 : i32
          %dma_start3A_122 = arith.constant 0 : i32
          %dma_start3A_123 = tpu.memref_slice %arg9[%run_scoped3A, %dma_start3A_121, %dma_start3A_122] : memref<2x128x144xf32, #tpu.memory_space<vmem>> -> memref<1x128x144xf32, #tpu.memory_space<vmem>>
          %dma_start3A_124 = tpu.memref_squeeze %dma_start3A_123 : memref<1x128x144xf32, #tpu.memory_space<vmem>> -> memref<128x144xf32, #tpu.memory_space<vmem>>
          tpu.enqueue_dma source(%dma_start3A_124 : memref<128x144xf32, #tpu.memory_space<vmem>>) target(%dma_start3A_120 : memref<128x144xf32, #tpu.memory_space<hbm>>) target_semaphore(%run_scoped3A_112 : memref<!tpu.dma_semaphore, #tpu.memory_space<semaphore_mem>>)
          %dma_wait3A_125 = arith.constant 0 : i32
          %dma_wait3A_126 = arith.constant 0 : i32
          %dma_wait3A_127 = tpu.memref_slice %arg9[%run_scoped3A, %dma_wait3A_125, %dma_wait3A_126] : memref<2x128x144xf32, #tpu.memory_space<vmem>> -> memref<1x128x144xf32, #tpu.memory_space<vmem>>
          %dma_wait3A_128 = tpu.memref_squeeze %dma_wait3A_127 : memref<1x128x144xf32, #tpu.memory_space<vmem>> -> memref<128x144xf32, #tpu.memory_space<vmem>>
          %dma_wait3A_129 = arith.constant 0 : i32
          %dma_wait3A_130 = tpu.memref_slice %arg6[%mul3A_104, %dma_wait3A_129] : memref<327680x144xf32, #tpu.memory_space<hbm>> -> memref<128x144xf32, #tpu.memory_space<hbm>>
          %dma_wait3A_131 = arith.constant 0 : i32
          %dma_wait3A_132 = tpu.memref_slice %arg6[%mul3A_104, %dma_wait3A_131] : memref<327680x144xf32, #tpu.memory_space<hbm>> -> memref<128x144xf32, #tpu.memory_space<hbm>>
          %dma_wait3A_133 = arith.constant 0 : i32
          %dma_wait3A_134 = arith.constant 0 : i32
          %dma_wait3A_135 = tpu.memref_slice %arg9[%run_scoped3A, %dma_wait3A_133, %dma_wait3A_134] : memref<2x128x144xf32, #tpu.memory_space<vmem>> -> memref<1x128x144xf32, #tpu.memory_space<vmem>>
          %dma_wait3A_136 = tpu.memref_squeeze %dma_wait3A_135 : memref<1x128x144xf32, #tpu.memory_space<vmem>> -> memref<128x144xf32, #tpu.memory_space<vmem>>
          tpu.wait_dma2 semaphore(%run_scoped3A_112 : memref<!tpu.dma_semaphore, #tpu.memory_space<semaphore_mem>>) src(%dma_wait3A_136 : memref<128x144xf32, #tpu.memory_space<vmem>>) dst(%dma_wait3A_132 : memref<128x144xf32, #tpu.memory_space<hbm>>)
          tpu.yield
        }) : () -> ()
        %add3A_105 = arith.constant 2 : i32
        %add3A_106 = arith.addi %add3A_62, %add3A_105 : i32
        %lt3A_107 = arith.constant 80 : i32
        %lt3A_108 = arith.cmpi slt, %add3A_106, %lt3A_107 : i32
        %convert_element_type3A_109 = arith.extui %lt3A_108 : i1 to i32
        %cond3A_110 = arith.constant 0 : i32
        %cond3A_111 = arith.cmpi ne, %convert_element_type3A_109, %cond3A_110 : i32
        scf.if %cond3A_111 {
          %add3A_112 = arith.constant 2 : i32
          %add3A_113 = arith.addi %add3A_62, %add3A_112 : i32
          %dma_start3A_114 = arith.constant 0 : i32
          %dma_start3A_115 = arith.constant 0 : i32
          %dma_start3A_116 = arith.constant 0 : i32
          %dma_start3A_117 = tpu.memref_slice %arg9[%dma_start3A_114, %dma_start3A_115, %dma_start3A_116] : memref<2x128x144xf32, #tpu.memory_space<vmem>> -> memref<1x128x144xf32, #tpu.memory_space<vmem>>
          %dma_start3A_118 = tpu.memref_squeeze %dma_start3A_117 : memref<1x128x144xf32, #tpu.memory_space<vmem>> -> memref<128x144xf32, #tpu.memory_space<vmem>>
          %dma_start3A_119 = arith.constant 0 : i32
          %dma_start3A_120 = tpu.memref_slice %arg7[%add3A_113, %dma_start3A_119] : memref<80x128xi32, #tpu.memory_space<vmem>> -> memref<1x128xi32, #tpu.memory_space<vmem>>
          %dma_start3A_121 = tpu.memref_squeeze %dma_start3A_120 : memref<1x128xi32, #tpu.memory_space<vmem>> -> memref<128xi32, #tpu.memory_space<vmem>>
          %dma_start3A_122 = arith.constant 0 : i32
          %dma_start3A_123 = arith.constant 0 : i32
          %dma_start3A_124 = tpu.memref_slice %arg2[%dma_start3A_122, %dma_start3A_123] : memref<10000x144xf32, #tpu.memory_space<hbm>> -> memref<10000x144xf32, #tpu.memory_space<hbm>>
          tpu.enqueue_indirect_dma source(%dma_start3A_124 : memref<10000x144xf32, #tpu.memory_space<hbm>>) target(%dma_start3A_118 : memref<128x144xf32, #tpu.memory_space<vmem>>) offsets(%dma_start3A_121 : memref<128xi32, #tpu.memory_space<vmem>>) semaphore(%arg11 : memref<!tpu.dma_semaphore, #tpu.memory_space<semaphore_mem>>)
          %dma_start3A_125 = arith.constant 0 : i32
          %dma_start3A_126 = arith.constant 0 : i32
          %dma_start3A_127 = arith.constant 0 : i32
          %dma_start3A_128 = tpu.memref_slice %arg10[%dma_start3A_125, %dma_start3A_126, %dma_start3A_127] : memref<2x128x144xf32, #tpu.memory_space<vmem>> -> memref<1x128x144xf32, #tpu.memory_space<vmem>>
          %dma_start3A_129 = tpu.memref_squeeze %dma_start3A_128 : memref<1x128x144xf32, #tpu.memory_space<vmem>> -> memref<128x144xf32, #tpu.memory_space<vmem>>
          %dma_start3A_130 = arith.constant 0 : i32
          %dma_start3A_131 = tpu.memref_slice %arg8[%add3A_113, %dma_start3A_130] : memref<80x128xi32, #tpu.memory_space<vmem>> -> memref<1x128xi32, #tpu.memory_space<vmem>>
          %dma_start3A_132 = tpu.memref_squeeze %dma_start3A_131 : memref<1x128xi32, #tpu.memory_space<vmem>> -> memref<128xi32, #tpu.memory_space<vmem>>
          %dma_start3A_133 = arith.constant 0 : i32
          %dma_start3A_134 = arith.constant 0 : i32
          %dma_start3A_135 = tpu.memref_slice %arg3[%dma_start3A_133, %dma_start3A_134] : memref<10000x144xf32, #tpu.memory_space<hbm>> -> memref<10000x144xf32, #tpu.memory_space<hbm>>
          tpu.enqueue_indirect_dma source(%dma_start3A_135 : memref<10000x144xf32, #tpu.memory_space<hbm>>) target(%dma_start3A_129 : memref<128x144xf32, #tpu.memory_space<vmem>>) offsets(%dma_start3A_132 : memref<128xi32, #tpu.memory_space<vmem>>) semaphore(%arg13 : memref<!tpu.dma_semaphore, #tpu.memory_space<semaphore_mem>>)
        } else {
        }
      } else {
      }
      %mul3A_65 = arith.constant 2 : i32
      %mul3A_66 = arith.muli %mul3A_65, %add3A_58 : i32
      %add3A_67 = arith.constant 1 : i32
      %add3A_68 = arith.addi %mul3A_66, %add3A_67 : i32
      %lt3A_69 = arith.constant 80 : i32
      %lt3A_70 = arith.cmpi slt, %add3A_68, %lt3A_69 : i32
      %convert_element_type3A_71 = arith.extui %lt3A_70 : i1 to i32
      %cond3A_72 = arith.constant 0 : i32
      %cond3A_73 = arith.cmpi ne, %convert_element_type3A_71, %cond3A_72 : i32
      scf.if %cond3A_73 {
        %dma_wait3A = arith.constant 0 : i32
        %dma_wait3A_74 = arith.constant 1 : i32
        %dma_wait3A_75 = arith.constant 0 : i32
        %dma_wait3A_76 = arith.constant 0 : i32
        %dma_wait3A_77 = tpu.memref_slice %arg9[%dma_wait3A_74, %dma_wait3A_75, %dma_wait3A_76] : memref<2x128x144xf32, #tpu.memory_space<vmem>> -> memref<1x128x144xf32, #tpu.memory_space<vmem>>
        %dma_wait3A_78 = tpu.memref_squeeze %dma_wait3A_77 : memref<1x128x144xf32, #tpu.memory_space<vmem>> -> memref<128x144xf32, #tpu.memory_space<vmem>>
        %dma_wait3A_79 = arith.constant 0 : i32
        %dma_wait3A_80 = tpu.memref_slice %arg7[%dma_wait3A, %dma_wait3A_79] : memref<80x128xi32, #tpu.memory_space<vmem>> -> memref<1x128xi32, #tpu.memory_space<vmem>>
        %dma_wait3A_81 = tpu.memref_squeeze %dma_wait3A_80 : memref<1x128xi32, #tpu.memory_space<vmem>> -> memref<128xi32, #tpu.memory_space<vmem>>
        %dma_wait3A_82 = arith.constant 0 : i32
        %dma_wait3A_83 = arith.constant 0 : i32
        %dma_wait3A_84 = tpu.memref_slice %arg2[%dma_wait3A_82, %dma_wait3A_83] : memref<10000x144xf32, #tpu.memory_space<hbm>> -> memref<10000x144xf32, #tpu.memory_space<hbm>>
        tpu.wait_indirect_dma semaphore(%arg12 : memref<!tpu.dma_semaphore, #tpu.memory_space<semaphore_mem>>) src(%dma_wait3A_84 : memref<10000x144xf32, #tpu.memory_space<hbm>>) dst(%dma_wait3A_78 : memref<128x144xf32, #tpu.memory_space<vmem>>)
        %dma_wait3A_85 = arith.constant 0 : i32
        %dma_wait3A_86 = arith.constant 1 : i32
        %dma_wait3A_87 = arith.constant 0 : i32
        %dma_wait3A_88 = arith.constant 0 : i32
        %dma_wait3A_89 = tpu.memref_slice %arg10[%dma_wait3A_86, %dma_wait3A_87, %dma_wait3A_88] : memref<2x128x144xf32, #tpu.memory_space<vmem>> -> memref<1x128x144xf32, #tpu.memory_space<vmem>>
        %dma_wait3A_90 = tpu.memref_squeeze %dma_wait3A_89 : memref<1x128x144xf32, #tpu.memory_space<vmem>> -> memref<128x144xf32, #tpu.memory_space<vmem>>
        %dma_wait3A_91 = arith.constant 0 : i32
        %dma_wait3A_92 = tpu.memref_slice %arg8[%dma_wait3A_85, %dma_wait3A_91] : memref<80x128xi32, #tpu.memory_space<vmem>> -> memref<1x128xi32, #tpu.memory_space<vmem>>
        %dma_wait3A_93 = tpu.memref_squeeze %dma_wait3A_92 : memref<1x128xi32, #tpu.memory_space<vmem>> -> memref<128xi32, #tpu.memory_space<vmem>>
        %dma_wait3A_94 = arith.constant 0 : i32
        %dma_wait3A_95 = arith.constant 0 : i32
        %dma_wait3A_96 = tpu.memref_slice %arg3[%dma_wait3A_94, %dma_wait3A_95] : memref<10000x144xf32, #tpu.memory_space<hbm>> -> memref<10000x144xf32, #tpu.memory_space<hbm>>
        tpu.wait_indirect_dma semaphore(%arg14 : memref<!tpu.dma_semaphore, #tpu.memory_space<semaphore_mem>>) src(%dma_wait3A_96 : memref<10000x144xf32, #tpu.memory_space<hbm>>) dst(%dma_wait3A_90 : memref<128x144xf32, #tpu.memory_space<vmem>>)
        %scan3A_97 = arith.constant 0 : i32
        %scan3A_98 = arith.constant 128 : i32
        %scan3A_99 = arith.addi %scan3A_97, %scan3A_98 : i32
        %scan3A_100 = arith.constant 1 : i32
        scf.for %scan3A_112 = %scan3A_97 to %scan3A_99 step %scan3A_100  : i32 {
          %mul3A_113 = arith.constant 1 : i32
          %mul3A_114 = arith.muli %scan3A_112, %mul3A_113 : i32
          %add3A_115 = arith.constant 0 : i32
          %add3A_116 = arith.addi %add3A_115, %mul3A_114 : i32
          %get3A = arith.constant 1 : i32
          %get3A_117 = arith.index_cast %get3A : i32 to index
          %get3A_118 = arith.index_cast %add3A_116 : i32 to index
          %get3A_119 = arith.constant 0 : index
          %get3A_120 = tpu.vector_load %arg9[%get3A_117, %get3A_118, %get3A_119] {strides = array<i32>} : memref<2x128x144xf32, #tpu.memory_space<vmem>>, vector<1x1x16xf32>,
          %get3A_121 = vector.shape_cast %get3A_120 : vector<1x1x16xf32> to vector<1x16xf32>
          %get3A_122 = arith.constant 1 : i32
          %get3A_123 = arith.index_cast %get3A_122 : i32 to index
          %get3A_124 = arith.index_cast %add3A_116 : i32 to index
          %get3A_125 = arith.constant 0 : index
          %get3A_126 = tpu.vector_load %arg10[%get3A_123, %get3A_124, %get3A_125] {strides = array<i32>} : memref<2x128x144xf32, #tpu.memory_space<vmem>>, vector<1x1x16xf32>,
          %get3A_127 = vector.shape_cast %get3A_126 : vector<1x1x16xf32> to vector<1x16xf32>
          %add3A_128 = arith.addf %get3A_121, %get3A_127 : vector<1x16xf32>
          %swap3A = arith.constant 1 : i32
          %swap3A_129 = arith.index_cast %swap3A : i32 to index
          %swap3A_130 = arith.index_cast %add3A_116 : i32 to index
          %swap3A_131 = arith.constant 0 : index
          %swap3A_132 = tpu.vector_load %arg9[%swap3A_129, %swap3A_130, %swap3A_131] {strides = array<i32>} : memref<2x128x144xf32, #tpu.memory_space<vmem>>, vector<1x1x16xf32>,
          %swap3A_133 = vector.shape_cast %swap3A_132 : vector<1x1x16xf32> to vector<1x16xf32>
          %swap3A_134 = vector.shape_cast %add3A_128 : vector<1x16xf32> to vector<1x1x16xf32>
          tpu.vector_store %arg9[%swap3A_129, %swap3A_130, %swap3A_131], %swap3A_134 {strides = array<i32>} : memref<2x128x144xf32, #tpu.memory_space<vmem>>, vector<1x1x16xf32>,
          %get3A_135 = arith.constant 1 : i32
          %get3A_136 = arith.index_cast %get3A_135 : i32 to index
          %get3A_137 = arith.index_cast %add3A_116 : i32 to index
          %get3A_138 = arith.constant 16 : index
          %get3A_139 = tpu.vector_load %arg9[%get3A_136, %get3A_137, %get3A_138] {strides = array<i32>} : memref<2x128x144xf32, #tpu.memory_space<vmem>>, vector<1x1x16xf32>,
          %get3A_140 = vector.shape_cast %get3A_139 : vector<1x1x16xf32> to vector<1x16xf32>
          %get3A_141 = arith.constant 1 : i32
          %get3A_142 = arith.index_cast %get3A_141 : i32 to index
          %get3A_143 = arith.index_cast %add3A_116 : i32 to index
          %get3A_144 = arith.constant 16 : index
          %get3A_145 = tpu.vector_load %arg10[%get3A_142, %get3A_143, %get3A_144] {strides = array<i32>} : memref<2x128x144xf32, #tpu.memory_space<vmem>>, vector<1x1x16xf32>,
          %get3A_146 = vector.shape_cast %get3A_145 : vector<1x1x16xf32> to vector<1x16xf32>
          %add3A_147 = arith.addf %get3A_140, %get3A_146 : vector<1x16xf32>
          %swap3A_148 = arith.constant 1 : i32
          %swap3A_149 = arith.index_cast %swap3A_148 : i32 to index
          %swap3A_150 = arith.index_cast %add3A_116 : i32 to index
          %swap3A_151 = arith.constant 16 : index
          %swap3A_152 = tpu.vector_load %arg9[%swap3A_149, %swap3A_150, %swap3A_151] {strides = array<i32>} : memref<2x128x144xf32, #tpu.memory_space<vmem>>, vector<1x1x16xf32>,
          %swap3A_153 = vector.shape_cast %swap3A_152 : vector<1x1x16xf32> to vector<1x16xf32>
          %swap3A_154 = vector.shape_cast %add3A_147 : vector<1x16xf32> to vector<1x1x16xf32>
          tpu.vector_store %arg9[%swap3A_149, %swap3A_150, %swap3A_151], %swap3A_154 {strides = array<i32>} : memref<2x128x144xf32, #tpu.memory_space<vmem>>, vector<1x1x16xf32>,
          %get3A_155 = arith.constant 1 : i32
          %get3A_156 = arith.index_cast %get3A_155 : i32 to index
          %get3A_157 = arith.index_cast %add3A_116 : i32 to index
          %get3A_158 = arith.constant 32 : index
          %get3A_159 = tpu.vector_load %arg9[%get3A_156, %get3A_157, %get3A_158] {strides = array<i32>} : memref<2x128x144xf32, #tpu.memory_space<vmem>>, vector<1x1x16xf32>,
          %get3A_160 = vector.shape_cast %get3A_159 : vector<1x1x16xf32> to vector<1x16xf32>
          %get3A_161 = arith.constant 1 : i32
          %get3A_162 = arith.index_cast %get3A_161 : i32 to index
          %get3A_163 = arith.index_cast %add3A_116 : i32 to index
          %get3A_164 = arith.constant 32 : index
          %get3A_165 = tpu.vector_load %arg10[%get3A_162, %get3A_163, %get3A_164] {strides = array<i32>} : memref<2x128x144xf32, #tpu.memory_space<vmem>>, vector<1x1x16xf32>,
          %get3A_166 = vector.shape_cast %get3A_165 : vector<1x1x16xf32> to vector<1x16xf32>
          %add3A_167 = arith.addf %get3A_160, %get3A_166 : vector<1x16xf32>
          %swap3A_168 = arith.constant 1 : i32
          %swap3A_169 = arith.index_cast %swap3A_168 : i32 to index
          %swap3A_170 = arith.index_cast %add3A_116 : i32 to index
          %swap3A_171 = arith.constant 32 : index
          %swap3A_172 = tpu.vector_load %arg9[%swap3A_169, %swap3A_170, %swap3A_171] {strides = array<i32>} : memref<2x128x144xf32, #tpu.memory_space<vmem>>, vector<1x1x16xf32>,
          %swap3A_173 = vector.shape_cast %swap3A_172 : vector<1x1x16xf32> to vector<1x16xf32>
          %swap3A_174 = vector.shape_cast %add3A_167 : vector<1x16xf32> to vector<1x1x16xf32>
          tpu.vector_store %arg9[%swap3A_169, %swap3A_170, %swap3A_171], %swap3A_174 {strides = array<i32>} : memref<2x128x144xf32, #tpu.memory_space<vmem>>, vector<1x1x16xf32>,
          %get3A_175 = arith.constant 1 : i32
          %get3A_176 = arith.index_cast %get3A_175 : i32 to index
          %get3A_177 = arith.index_cast %add3A_116 : i32 to index
          %get3A_178 = arith.constant 48 : index
          %get3A_179 = tpu.vector_load %arg9[%get3A_176, %get3A_177, %get3A_178] {strides = array<i32>} : memref<2x128x144xf32, #tpu.memory_space<vmem>>, vector<1x1x16xf32>,
          %get3A_180 = vector.shape_cast %get3A_179 : vector<1x1x16xf32> to vector<1x16xf32>
          %get3A_181 = arith.constant 1 : i32
          %get3A_182 = arith.index_cast %get3A_181 : i32 to index
          %get3A_183 = arith.index_cast %add3A_116 : i32 to index
          %get3A_184 = arith.constant 48 : index
          %get3A_185 = tpu.vector_load %arg10[%get3A_182, %get3A_183, %get3A_184] {strides = array<i32>} : memref<2x128x144xf32, #tpu.memory_space<vmem>>, vector<1x1x16xf32>,
          %get3A_186 = vector.shape_cast %get3A_185 : vector<1x1x16xf32> to vector<1x16xf32>
          %add3A_187 = arith.addf %get3A_180, %get3A_186 : vector<1x16xf32>
          %swap3A_188 = arith.constant 1 : i32
          %swap3A_189 = arith.index_cast %swap3A_188 : i32 to index
          %swap3A_190 = arith.index_cast %add3A_116 : i32 to index
          %swap3A_191 = arith.constant 48 : index
          %swap3A_192 = tpu.vector_load %arg9[%swap3A_189, %swap3A_190, %swap3A_191] {strides = array<i32>} : memref<2x128x144xf32, #tpu.memory_space<vmem>>, vector<1x1x16xf32>,
          %swap3A_193 = vector.shape_cast %swap3A_192 : vector<1x1x16xf32> to vector<1x16xf32>
          %swap3A_194 = vector.shape_cast %add3A_187 : vector<1x16xf32> to vector<1x1x16xf32>
          tpu.vector_store %arg9[%swap3A_189, %swap3A_190, %swap3A_191], %swap3A_194 {strides = array<i32>} : memref<2x128x144xf32, #tpu.memory_space<vmem>>, vector<1x1x16xf32>,
          %get3A_195 = arith.constant 1 : i32
          %get3A_196 = arith.index_cast %get3A_195 : i32 to index
          %get3A_197 = arith.index_cast %add3A_116 : i32 to index
          %get3A_198 = arith.constant 64 : index
          %get3A_199 = tpu.vector_load %arg9[%get3A_196, %get3A_197, %get3A_198] {strides = array<i32>} : memref<2x128x144xf32, #tpu.memory_space<vmem>>, vector<1x1x16xf32>,
          %get3A_200 = vector.shape_cast %get3A_199 : vector<1x1x16xf32> to vector<1x16xf32>
          %get3A_201 = arith.constant 1 : i32
          %get3A_202 = arith.index_cast %get3A_201 : i32 to index
          %get3A_203 = arith.index_cast %add3A_116 : i32 to index
          %get3A_204 = arith.constant 64 : index
          %get3A_205 = tpu.vector_load %arg10[%get3A_202, %get3A_203, %get3A_204] {strides = array<i32>} : memref<2x128x144xf32, #tpu.memory_space<vmem>>, vector<1x1x16xf32>,
          %get3A_206 = vector.shape_cast %get3A_205 : vector<1x1x16xf32> to vector<1x16xf32>
          %add3A_207 = arith.addf %get3A_200, %get3A_206 : vector<1x16xf32>
          %swap3A_208 = arith.constant 1 : i32
          %swap3A_209 = arith.index_cast %swap3A_208 : i32 to index
          %swap3A_210 = arith.index_cast %add3A_116 : i32 to index
          %swap3A_211 = arith.constant 64 : index
          %swap3A_212 = tpu.vector_load %arg9[%swap3A_209, %swap3A_210, %swap3A_211] {strides = array<i32>} : memref<2x128x144xf32, #tpu.memory_space<vmem>>, vector<1x1x16xf32>,
          %swap3A_213 = vector.shape_cast %swap3A_212 : vector<1x1x16xf32> to vector<1x16xf32>
          %swap3A_214 = vector.shape_cast %add3A_207 : vector<1x16xf32> to vector<1x1x16xf32>
          tpu.vector_store %arg9[%swap3A_209, %swap3A_210, %swap3A_211], %swap3A_214 {strides = array<i32>} : memref<2x128x144xf32, #tpu.memory_space<vmem>>, vector<1x1x16xf32>,
          %get3A_215 = arith.constant 1 : i32
          %get3A_216 = arith.index_cast %get3A_215 : i32 to index
          %get3A_217 = arith.index_cast %add3A_116 : i32 to index
          %get3A_218 = arith.constant 80 : index
          %get3A_219 = tpu.vector_load %arg9[%get3A_216, %get3A_217, %get3A_218] {strides = array<i32>} : memref<2x128x144xf32, #tpu.memory_space<vmem>>, vector<1x1x16xf32>,
          %get3A_220 = vector.shape_cast %get3A_219 : vector<1x1x16xf32> to vector<1x16xf32>
          %get3A_221 = arith.constant 1 : i32
          %get3A_222 = arith.index_cast %get3A_221 : i32 to index
          %get3A_223 = arith.index_cast %add3A_116 : i32 to index
          %get3A_224 = arith.constant 80 : index
          %get3A_225 = tpu.vector_load %arg10[%get3A_222, %get3A_223, %get3A_224] {strides = array<i32>} : memref<2x128x144xf32, #tpu.memory_space<vmem>>, vector<1x1x16xf32>,
          %get3A_226 = vector.shape_cast %get3A_225 : vector<1x1x16xf32> to vector<1x16xf32>
          %add3A_227 = arith.addf %get3A_220, %get3A_226 : vector<1x16xf32>
          %swap3A_228 = arith.constant 1 : i32
          %swap3A_229 = arith.index_cast %swap3A_228 : i32 to index
          %swap3A_230 = arith.index_cast %add3A_116 : i32 to index
          %swap3A_231 = arith.constant 80 : index
          %swap3A_232 = tpu.vector_load %arg9[%swap3A_229, %swap3A_230, %swap3A_231] {strides = array<i32>} : memref<2x128x144xf32, #tpu.memory_space<vmem>>, vector<1x1x16xf32>,
          %swap3A_233 = vector.shape_cast %swap3A_232 : vector<1x1x16xf32> to vector<1x16xf32>
          %swap3A_234 = vector.shape_cast %add3A_227 : vector<1x16xf32> to vector<1x1x16xf32>
          tpu.vector_store %arg9[%swap3A_229, %swap3A_230, %swap3A_231], %swap3A_234 {strides = array<i32>} : memref<2x128x144xf32, #tpu.memory_space<vmem>>, vector<1x1x16xf32>,
          %get3A_235 = arith.constant 1 : i32
          %get3A_236 = arith.index_cast %get3A_235 : i32 to index
          %get3A_237 = arith.index_cast %add3A_116 : i32 to index
          %get3A_238 = arith.constant 96 : index
          %get3A_239 = tpu.vector_load %arg9[%get3A_236, %get3A_237, %get3A_238] {strides = array<i32>} : memref<2x128x144xf32, #tpu.memory_space<vmem>>, vector<1x1x16xf32>,
          %get3A_240 = vector.shape_cast %get3A_239 : vector<1x1x16xf32> to vector<1x16xf32>
          %get3A_241 = arith.constant 1 : i32
          %get3A_242 = arith.index_cast %get3A_241 : i32 to index
          %get3A_243 = arith.index_cast %add3A_116 : i32 to index
          %get3A_244 = arith.constant 96 : index
          %get3A_245 = tpu.vector_load %arg10[%get3A_242, %get3A_243, %get3A_244] {strides = array<i32>} : memref<2x128x144xf32, #tpu.memory_space<vmem>>, vector<1x1x16xf32>,
          %get3A_246 = vector.shape_cast %get3A_245 : vector<1x1x16xf32> to vector<1x16xf32>
          %add3A_247 = arith.addf %get3A_240, %get3A_246 : vector<1x16xf32>
          %swap3A_248 = arith.constant 1 : i32
          %swap3A_249 = arith.index_cast %swap3A_248 : i32 to index
          %swap3A_250 = arith.index_cast %add3A_116 : i32 to index
          %swap3A_251 = arith.constant 96 : index
          %swap3A_252 = tpu.vector_load %arg9[%swap3A_249, %swap3A_250, %swap3A_251] {strides = array<i32>} : memref<2x128x144xf32, #tpu.memory_space<vmem>>, vector<1x1x16xf32>,
          %swap3A_253 = vector.shape_cast %swap3A_252 : vector<1x1x16xf32> to vector<1x16xf32>
          %swap3A_254 = vector.shape_cast %add3A_247 : vector<1x16xf32> to vector<1x1x16xf32>
          tpu.vector_store %arg9[%swap3A_249, %swap3A_250, %swap3A_251], %swap3A_254 {strides = array<i32>} : memref<2x128x144xf32, #tpu.memory_space<vmem>>, vector<1x1x16xf32>,
          %get3A_255 = arith.constant 1 : i32
          %get3A_256 = arith.index_cast %get3A_255 : i32 to index
          %get3A_257 = arith.index_cast %add3A_116 : i32 to index
          %get3A_258 = arith.constant 112 : index
          %get3A_259 = tpu.vector_load %arg9[%get3A_256, %get3A_257, %get3A_258] {strides = array<i32>} : memref<2x128x144xf32, #tpu.memory_space<vmem>>, vector<1x1x16xf32>,
          %get3A_260 = vector.shape_cast %get3A_259 : vector<1x1x16xf32> to vector<1x16xf32>
          %get3A_261 = arith.constant 1 : i32
          %get3A_262 = arith.index_cast %get3A_261 : i32 to index
          %get3A_263 = arith.index_cast %add3A_116 : i32 to index
          %get3A_264 = arith.constant 112 : index
          %get3A_265 = tpu.vector_load %arg10[%get3A_262, %get3A_263, %get3A_264] {strides = array<i32>} : memref<2x128x144xf32, #tpu.memory_space<vmem>>, vector<1x1x16xf32>,
          %get3A_266 = vector.shape_cast %get3A_265 : vector<1x1x16xf32> to vector<1x16xf32>
          %add3A_267 = arith.addf %get3A_260, %get3A_266 : vector<1x16xf32>
          %swap3A_268 = arith.constant 1 : i32
          %swap3A_269 = arith.index_cast %swap3A_268 : i32 to index
          %swap3A_270 = arith.index_cast %add3A_116 : i32 to index
          %swap3A_271 = arith.constant 112 : index
          %swap3A_272 = tpu.vector_load %arg9[%swap3A_269, %swap3A_270, %swap3A_271] {strides = array<i32>} : memref<2x128x144xf32, #tpu.memory_space<vmem>>, vector<1x1x16xf32>,
          %swap3A_273 = vector.shape_cast %swap3A_272 : vector<1x1x16xf32> to vector<1x16xf32>
          %swap3A_274 = vector.shape_cast %add3A_267 : vector<1x16xf32> to vector<1x1x16xf32>
          tpu.vector_store %arg9[%swap3A_269, %swap3A_270, %swap3A_271], %swap3A_274 {strides = array<i32>} : memref<2x128x144xf32, #tpu.memory_space<vmem>>, vector<1x1x16xf32>,
          %get3A_275 = arith.constant 1 : i32
          %get3A_276 = arith.index_cast %get3A_275 : i32 to index
          %get3A_277 = arith.index_cast %add3A_116 : i32 to index
          %get3A_278 = arith.constant 128 : index
          %get3A_279 = tpu.vector_load %arg9[%get3A_276, %get3A_277, %get3A_278] {strides = array<i32>} : memref<2x128x144xf32, #tpu.memory_space<vmem>>, vector<1x1x16xf32>,
          %get3A_280 = vector.shape_cast %get3A_279 : vector<1x1x16xf32> to vector<1x16xf32>
          %get3A_281 = arith.constant 1 : i32
          %get3A_282 = arith.index_cast %get3A_281 : i32 to index
          %get3A_283 = arith.index_cast %add3A_116 : i32 to index
          %get3A_284 = arith.constant 128 : index
          %get3A_285 = tpu.vector_load %arg10[%get3A_282, %get3A_283, %get3A_284] {strides = array<i32>} : memref<2x128x144xf32, #tpu.memory_space<vmem>>, vector<1x1x16xf32>,
          %get3A_286 = vector.shape_cast %get3A_285 : vector<1x1x16xf32> to vector<1x16xf32>
          %sub3A = arith.subf %get3A_280, %get3A_286 : vector<1x16xf32>
          %swap3A_287 = arith.constant 1 : i32
          %swap3A_288 = arith.index_cast %swap3A_287 : i32 to index
          %swap3A_289 = arith.index_cast %add3A_116 : i32 to index
          %swap3A_290 = arith.constant 128 : index
          %swap3A_291 = tpu.vector_load %arg9[%swap3A_288, %swap3A_289, %swap3A_290] {strides = array<i32>} : memref<2x128x144xf32, #tpu.memory_space<vmem>>, vector<1x1x16xf32>,
          %swap3A_292 = vector.shape_cast %swap3A_291 : vector<1x1x16xf32> to vector<1x16xf32>
          %swap3A_293 = vector.shape_cast %sub3A : vector<1x16xf32> to vector<1x1x16xf32>
          tpu.vector_store %arg9[%swap3A_288, %swap3A_289, %swap3A_290], %swap3A_293 {strides = array<i32>} : memref<2x128x144xf32, #tpu.memory_space<vmem>>, vector<1x1x16xf32>,
        }
        %scan3A_101 = arith.constant 128 : i32
        %add3A_102 = arith.addi %mul3A_2, %add3A_68 : i32
        %mul3A_103 = arith.constant 128 : i32
        %mul3A_104 = arith.muli %add3A_102, %mul3A_103 : i32
        %run_scoped3A = arith.constant 1 : i32
        "tpu.region"() ({
          %run_scoped3A_112 = tpu.sem_alloc : memref<!tpu.dma_semaphore, #tpu.memory_space<semaphore_mem>>
          %dma_start3A_113 = arith.constant 0 : i32
          %dma_start3A_114 = arith.constant 0 : i32
          %dma_start3A_115 = tpu.memref_slice %arg9[%run_scoped3A, %dma_start3A_113, %dma_start3A_114] : memref<2x128x144xf32, #tpu.memory_space<vmem>> -> memref<1x128x144xf32, #tpu.memory_space<vmem>>
          %dma_start3A_116 = tpu.memref_squeeze %dma_start3A_115 : memref<1x128x144xf32, #tpu.memory_space<vmem>> -> memref<128x144xf32, #tpu.memory_space<vmem>>
          %dma_start3A_117 = arith.constant 0 : i32
          %dma_start3A_118 = tpu.memref_slice %arg6[%mul3A_104, %dma_start3A_117] : memref<327680x144xf32, #tpu.memory_space<hbm>> -> memref<128x144xf32, #tpu.memory_space<hbm>>
          %dma_start3A_119 = arith.constant 0 : i32
          %dma_start3A_120 = tpu.memref_slice %arg6[%mul3A_104, %dma_start3A_119] : memref<327680x144xf32, #tpu.memory_space<hbm>> -> memref<128x144xf32, #tpu.memory_space<hbm>>
          %dma_start3A_121 = arith.constant 0 : i32
          %dma_start3A_122 = arith.constant 0 : i32
          %dma_start3A_123 = tpu.memref_slice %arg9[%run_scoped3A, %dma_start3A_121, %dma_start3A_122] : memref<2x128x144xf32, #tpu.memory_space<vmem>> -> memref<1x128x144xf32, #tpu.memory_space<vmem>>
          %dma_start3A_124 = tpu.memref_squeeze %dma_start3A_123 : memref<1x128x144xf32, #tpu.memory_space<vmem>> -> memref<128x144xf32, #tpu.memory_space<vmem>>
          tpu.enqueue_dma source(%dma_start3A_124 : memref<128x144xf32, #tpu.memory_space<vmem>>) target(%dma_start3A_120 : memref<128x144xf32, #tpu.memory_space<hbm>>) target_semaphore(%run_scoped3A_112 : memref<!tpu.dma_semaphore, #tpu.memory_space<semaphore_mem>>)
          %dma_wait3A_125 = arith.constant 0 : i32
          %dma_wait3A_126 = arith.constant 0 : i32
          %dma_wait3A_127 = tpu.memref_slice %arg9[%run_scoped3A, %dma_wait3A_125, %dma_wait3A_126] : memref<2x128x144xf32, #tpu.memory_space<vmem>> -> memref<1x128x144xf32, #tpu.memory_space<vmem>>
          %dma_wait3A_128 = tpu.memref_squeeze %dma_wait3A_127 : memref<1x128x144xf32, #tpu.memory_space<vmem>> -> memref<128x144xf32, #tpu.memory_space<vmem>>
          %dma_wait3A_129 = arith.constant 0 : i32
          %dma_wait3A_130 = tpu.memref_slice %arg6[%mul3A_104, %dma_wait3A_129] : memref<327680x144xf32, #tpu.memory_space<hbm>> -> memref<128x144xf32, #tpu.memory_space<hbm>>
          %dma_wait3A_131 = arith.constant 0 : i32
          %dma_wait3A_132 = tpu.memref_slice %arg6[%mul3A_104, %dma_wait3A_131] : memref<327680x144xf32, #tpu.memory_space<hbm>> -> memref<128x144xf32, #tpu.memory_space<hbm>>
          %dma_wait3A_133 = arith.constant 0 : i32
          %dma_wait3A_134 = arith.constant 0 : i32
          %dma_wait3A_135 = tpu.memref_slice %arg9[%run_scoped3A, %dma_wait3A_133, %dma_wait3A_134] : memref<2x128x144xf32, #tpu.memory_space<vmem>> -> memref<1x128x144xf32, #tpu.memory_space<vmem>>
          %dma_wait3A_136 = tpu.memref_squeeze %dma_wait3A_135 : memref<1x128x144xf32, #tpu.memory_space<vmem>> -> memref<128x144xf32, #tpu.memory_space<vmem>>
          tpu.wait_dma2 semaphore(%run_scoped3A_112 : memref<!tpu.dma_semaphore, #tpu.memory_space<semaphore_mem>>) src(%dma_wait3A_136 : memref<128x144xf32, #tpu.memory_space<vmem>>) dst(%dma_wait3A_132 : memref<128x144xf32, #tpu.memory_space<hbm>>)
          tpu.yield
        }) : () -> ()
        %add3A_105 = arith.constant 2 : i32
        %add3A_106 = arith.addi %add3A_68, %add3A_105 : i32
        %lt3A_107 = arith.constant 80 : i32
        %lt3A_108 = arith.cmpi slt, %add3A_106, %lt3A_107 : i32
        %convert_element_type3A_109 = arith.extui %lt3A_108 : i1 to i32
        %cond3A_110 = arith.constant 0 : i32
        %cond3A_111 = arith.cmpi ne, %convert_element_type3A_109, %cond3A_110 : i32
        scf.if %cond3A_111 {
          %add3A_112 = arith.constant 2 : i32
          %add3A_113 = arith.addi %add3A_68, %add3A_112 : i32
          %dma_start3A_114 = arith.constant 1 : i32
          %dma_start3A_115 = arith.constant 0 : i32
          %dma_start3A_116 = arith.constant 0 : i32
          %dma_start3A_117 = tpu.memref_slice %arg9[%dma_start3A_114, %dma_start3A_115, %dma_start3A_116] : memref<2x128x144xf32, #tpu.memory_space<vmem>> -> memref<1x128x144xf32, #tpu.memory_space<vmem>>
          %dma_start3A_118 = tpu.memref_squeeze %dma_start3A_117 : memref<1x128x144xf32, #tpu.memory_space<vmem>> -> memref<128x144xf32, #tpu.memory_space<vmem>>
          %dma_start3A_119 = arith.constant 0 : i32
          %dma_start3A_120 = tpu.memref_slice %arg7[%add3A_113, %dma_start3A_119] : memref<80x128xi32, #tpu.memory_space<vmem>> -> memref<1x128xi32, #tpu.memory_space<vmem>>
          %dma_start3A_121 = tpu.memref_squeeze %dma_start3A_120 : memref<1x128xi32, #tpu.memory_space<vmem>> -> memref<128xi32, #tpu.memory_space<vmem>>
          %dma_start3A_122 = arith.constant 0 : i32
          %dma_start3A_123 = arith.constant 0 : i32
          %dma_start3A_124 = tpu.memref_slice %arg2[%dma_start3A_122, %dma_start3A_123] : memref<10000x144xf32, #tpu.memory_space<hbm>> -> memref<10000x144xf32, #tpu.memory_space<hbm>>
          tpu.enqueue_indirect_dma source(%dma_start3A_124 : memref<10000x144xf32, #tpu.memory_space<hbm>>) target(%dma_start3A_118 : memref<128x144xf32, #tpu.memory_space<vmem>>) offsets(%dma_start3A_121 : memref<128xi32, #tpu.memory_space<vmem>>) semaphore(%arg12 : memref<!tpu.dma_semaphore, #tpu.memory_space<semaphore_mem>>)
          %dma_start3A_125 = arith.constant 1 : i32
          %dma_start3A_126 = arith.constant 0 : i32
          %dma_start3A_127 = arith.constant 0 : i32
          %dma_start3A_128 = tpu.memref_slice %arg10[%dma_start3A_125, %dma_start3A_126, %dma_start3A_127] : memref<2x128x144xf32, #tpu.memory_space<vmem>> -> memref<1x128x144xf32, #tpu.memory_space<vmem>>
          %dma_start3A_129 = tpu.memref_squeeze %dma_start3A_128 : memref<1x128x144xf32, #tpu.memory_space<vmem>> -> memref<128x144xf32, #tpu.memory_space<vmem>>
          %dma_start3A_130 = arith.constant 0 : i32
          %dma_start3A_131 = tpu.memref_slice %arg8[%add3A_113, %dma_start3A_130] : memref<80x128xi32, #tpu.memory_space<vmem>> -> memref<1x128xi32, #tpu.memory_space<vmem>>
          %dma_start3A_132 = tpu.memref_squeeze %dma_start3A_131 : memref<1x128xi32, #tpu.memory_space<vmem>> -> memref<128xi32, #tpu.memory_space<vmem>>
          %dma_start3A_133 = arith.constant 0 : i32
          %dma_start3A_134 = arith.constant 0 : i32
          %dma_start3A_135 = tpu.memref_slice %arg3[%dma_start3A_133, %dma_start3A_134] : memref<10000x144xf32, #tpu.memory_space<hbm>> -> memref<10000x144xf32, #tpu.memory_space<hbm>>
          tpu.enqueue_indirect_dma source(%dma_start3A_135 : memref<10000x144xf32, #tpu.memory_space<hbm>>) target(%dma_start3A_129 : memref<128x144xf32, #tpu.memory_space<vmem>>) offsets(%dma_start3A_132 : memref<128xi32, #tpu.memory_space<vmem>>) semaphore(%arg14 : memref<!tpu.dma_semaphore, #tpu.memory_space<semaphore_mem>>)
        } else {
        }
      } else {
      }
    }
    %scan3A_53 = arith.constant 40 : i32
    return
  }
}

#map = affine_map<(d0, d1) -> (0, 0)>
#map1 = affine_map<(d0, d1) -> (0, 0, 0)>
module attributes {stable_mosaic.version = 14 : i64} {
  func.func @scat(%arg0: i32, %arg1: i32, %arg2: memref<327680x128xf32, #tpu.memory_space<hbm>>, %arg3: memref<327680x16xf32, #tpu.memory_space<hbm>>, %arg4: memref<2560x128xi32, #tpu.memory_space<hbm>>, %arg5: memref<10000x128xf32, #tpu.memory_space<hbm>>, %arg6: memref<10000x16xf32, #tpu.memory_space<hbm>>, %arg7: memref<2x10000x128xf32, #tpu.memory_space<hbm>>, %arg8: memref<2x10000x16xf32, #tpu.memory_space<hbm>>, %arg9: memref<2x128xi32, #tpu.memory_space<vmem>>, %arg10: memref<2x128x128xf32, #tpu.memory_space<vmem>>, %arg11: memref<2x128x16xf32, #tpu.memory_space<vmem>>, %arg12: memref<10000x128xf32, #tpu.memory_space<vmem_shared>>, %arg13: memref<10000x16xf32, #tpu.memory_space<vmem_shared>>, %arg14: memref<!tpu.dma_semaphore, #tpu.memory_space<semaphore_mem>>, %arg15: memref<!tpu.dma_semaphore, #tpu.memory_space<semaphore_mem>>, %arg16: memref<!tpu.dma_semaphore, #tpu.memory_space<semaphore_mem>>, %arg17: memref<!tpu.dma_semaphore, #tpu.memory_space<semaphore_mem>>, %arg18: memref<!tpu.dma_semaphore, #tpu.memory_space<semaphore_mem>>, %arg19: memref<!tpu.dma_semaphore, #tpu.memory_space<semaphore_mem>>) attributes {dimension_semantics = [#tpu.dimension_semantics<core_parallel>, #tpu.dimension_semantics<subcore_parallel>], iteration_bounds = array<i64: 2, 16>, scalar_prefetch = 0 : i64, scratch_operands = 11 : i64, tpu.core_type = #tpu.core_type<sc_vector_subcore>, window_params = [{transform_indices = #map}, {transform_indices = #map}, {transform_indices = #map}, {transform_indices = #map}, {transform_indices = #map}, {transform_indices = #map1}, {transform_indices = #map1}]} {
    %mul3A = arith.constant 2 : i32
    %mul3A_0 = arith.muli %arg1, %mul3A : i32
    %add3A = arith.addi %mul3A_0, %arg0 : i32
    %mul3A_1 = arith.constant 80 : i32
    %mul3A_2 = arith.muli %add3A, %mul3A_1 : i32
    %mul3A_3 = arith.constant 625 : i32
    %mul3A_4 = arith.muli %arg1, %mul3A_3 : i32
    "tpu.region"() ({
      %run_scoped3A = tpu.sem_alloc : memref<!tpu.dma_semaphore, #tpu.memory_space<semaphore_mem>>
      %dma_start3A = arith.constant 0 : i32
      %dma_start3A_10 = tpu.memref_slice %arg12[%mul3A_4, %dma_start3A] : memref<10000x128xf32, #tpu.memory_space<vmem_shared>> -> memref<625x128xf32, #tpu.memory_space<vmem_shared>>
      %dma_start3A_11 = arith.constant 0 : i32
      %dma_start3A_12 = tpu.memref_slice %arg5[%mul3A_4, %dma_start3A_11] : memref<10000x128xf32, #tpu.memory_space<hbm>> -> memref<625x128xf32, #tpu.memory_space<hbm>>
      tpu.enqueue_dma source(%dma_start3A_12 : memref<625x128xf32, #tpu.memory_space<hbm>>) target(%dma_start3A_10 : memref<625x128xf32, #tpu.memory_space<vmem_shared>>) target_semaphore(%run_scoped3A : memref<!tpu.dma_semaphore, #tpu.memory_space<semaphore_mem>>)
      %dma_wait3A = arith.constant 0 : i32
      %dma_wait3A_13 = tpu.memref_slice %arg12[%mul3A_4, %dma_wait3A] : memref<10000x128xf32, #tpu.memory_space<vmem_shared>> -> memref<625x128xf32, #tpu.memory_space<vmem_shared>>
      %dma_wait3A_14 = arith.constant 0 : i32
      %dma_wait3A_15 = tpu.memref_slice %arg5[%mul3A_4, %dma_wait3A_14] : memref<10000x128xf32, #tpu.memory_space<hbm>> -> memref<625x128xf32, #tpu.memory_space<hbm>>
      tpu.wait_dma2 semaphore(%run_scoped3A : memref<!tpu.dma_semaphore, #tpu.memory_space<semaphore_mem>>) src(%dma_wait3A_15 : memref<625x128xf32, #tpu.memory_space<hbm>>) dst(%dma_wait3A_13 : memref<625x128xf32, #tpu.memory_space<vmem_shared>>)
      tpu.yield
    }) : () -> ()
    "tpu.region"() ({
      %run_scoped3A = tpu.sem_alloc : memref<!tpu.dma_semaphore, #tpu.memory_space<semaphore_mem>>
      %dma_start3A = arith.constant 0 : i32
      %dma_start3A_10 = tpu.memref_slice %arg13[%mul3A_4, %dma_start3A] : memref<10000x16xf32, #tpu.memory_space<vmem_shared>> -> memref<625x16xf32, #tpu.memory_space<vmem_shared>>
      %dma_start3A_11 = arith.constant 0 : i32
      %dma_start3A_12 = tpu.memref_slice %arg6[%mul3A_4, %dma_start3A_11] : memref<10000x16xf32, #tpu.memory_space<hbm>> -> memref<625x16xf32, #tpu.memory_space<hbm>>
      tpu.enqueue_dma source(%dma_start3A_12 : memref<625x16xf32, #tpu.memory_space<hbm>>) target(%dma_start3A_10 : memref<625x16xf32, #tpu.memory_space<vmem_shared>>) target_semaphore(%run_scoped3A : memref<!tpu.dma_semaphore, #tpu.memory_space<semaphore_mem>>)
      %dma_wait3A = arith.constant 0 : i32
      %dma_wait3A_13 = tpu.memref_slice %arg13[%mul3A_4, %dma_wait3A] : memref<10000x16xf32, #tpu.memory_space<vmem_shared>> -> memref<625x16xf32, #tpu.memory_space<vmem_shared>>
      %dma_wait3A_14 = arith.constant 0 : i32
      %dma_wait3A_15 = tpu.memref_slice %arg6[%mul3A_4, %dma_wait3A_14] : memref<10000x16xf32, #tpu.memory_space<hbm>> -> memref<625x16xf32, #tpu.memory_space<hbm>>
      tpu.wait_dma2 semaphore(%run_scoped3A : memref<!tpu.dma_semaphore, #tpu.memory_space<semaphore_mem>>) src(%dma_wait3A_15 : memref<625x16xf32, #tpu.memory_space<hbm>>) dst(%dma_wait3A_13 : memref<625x16xf32, #tpu.memory_space<vmem_shared>>)
      tpu.yield
    }) : () -> ()
    %barrier3A = arith.constant 0 : index
    tpu.barrier barrier_id(%barrier3A)
    %scan3A = arith.constant 0 : i32
    %scan3A_5 = arith.constant 40 : i32
    %scan3A_6 = arith.addi %scan3A, %scan3A_5 : i32
    %scan3A_7 = arith.constant 1 : i32
    scf.for %scan3A_10 = %scan3A to %scan3A_6 step %scan3A_7  : i32 {
      %mul3A_11 = arith.constant 1 : i32
      %mul3A_12 = arith.muli %scan3A_10, %mul3A_11 : i32
      %add3A_13 = arith.constant 0 : i32
      %add3A_14 = arith.addi %add3A_13, %mul3A_12 : i32
      %mul3A_15 = arith.constant 2 : i32
      %mul3A_16 = arith.muli %mul3A_15, %add3A_14 : i32
      %add3A_17 = arith.addi %mul3A_2, %mul3A_16 : i32
      %add3A_18 = arith.constant 0 : i32
      %add3A_19 = arith.addi %add3A_17, %add3A_18 : i32
      %mul3A_20 = arith.constant 128 : i32
      %mul3A_21 = arith.muli %add3A_19, %mul3A_20 : i32
      %add3A_22 = arith.constant 0 : i32
      %add3A_23 = arith.addi %add3A_17, %add3A_22 : i32
      %dma_start3A = arith.constant 0 : i32
      %dma_start3A_24 = arith.constant 0 : i32
      %dma_start3A_25 = tpu.memref_slice %arg9[%dma_start3A, %dma_start3A_24] : memref<2x128xi32, #tpu.memory_space<vmem>> -> memref<1x128xi32, #tpu.memory_space<vmem>>
      %dma_start3A_26 = tpu.memref_squeeze %dma_start3A_25 : memref<1x128xi32, #tpu.memory_space<vmem>> -> memref<128xi32, #tpu.memory_space<vmem>>
      %dma_start3A_27 = arith.constant 0 : i32
      %dma_start3A_28 = tpu.memref_slice %arg4[%add3A_23, %dma_start3A_27] : memref<2560x128xi32, #tpu.memory_space<hbm>> -> memref<1x128xi32, #tpu.memory_space<hbm>>
      %dma_start3A_29 = tpu.memref_squeeze %dma_start3A_28 : memref<1x128xi32, #tpu.memory_space<hbm>> -> memref<128xi32, #tpu.memory_space<hbm>>
      %dma_start3A_30 = arith.constant 0 : i32
      %dma_start3A_31 = tpu.memref_slice %arg9[%dma_start3A, %dma_start3A_30] : memref<2x128xi32, #tpu.memory_space<vmem>> -> memref<1x128xi32, #tpu.memory_space<vmem>>
      %dma_start3A_32 = tpu.memref_squeeze %dma_start3A_31 : memref<1x128xi32, #tpu.memory_space<vmem>> -> memref<128xi32, #tpu.memory_space<vmem>>
      %dma_start3A_33 = arith.constant 0 : i32
      %dma_start3A_34 = tpu.memref_slice %arg4[%add3A_23, %dma_start3A_33] : memref<2560x128xi32, #tpu.memory_space<hbm>> -> memref<1x128xi32, #tpu.memory_space<hbm>>
      %dma_start3A_35 = tpu.memref_squeeze %dma_start3A_34 : memref<1x128xi32, #tpu.memory_space<hbm>> -> memref<128xi32, #tpu.memory_space<hbm>>
      tpu.enqueue_dma source(%dma_start3A_35 : memref<128xi32, #tpu.memory_space<hbm>>) target(%dma_start3A_32 : memref<128xi32, #tpu.memory_space<vmem>>) target_semaphore(%arg18 : memref<!tpu.dma_semaphore, #tpu.memory_space<semaphore_mem>>)
      %dma_start3A_36 = arith.constant 0 : i32
      %dma_start3A_37 = arith.constant 0 : i32
      %dma_start3A_38 = arith.constant 0 : i32
      %dma_start3A_39 = tpu.memref_slice %arg10[%dma_start3A_36, %dma_start3A_37, %dma_start3A_38] : memref<2x128x128xf32, #tpu.memory_space<vmem>> -> memref<1x128x128xf32, #tpu.memory_space<vmem>>
      %dma_start3A_40 = tpu.memref_squeeze %dma_start3A_39 : memref<1x128x128xf32, #tpu.memory_space<vmem>> -> memref<128x128xf32, #tpu.memory_space<vmem>>
      %dma_start3A_41 = arith.constant 0 : i32
      %dma_start3A_42 = tpu.memref_slice %arg2[%mul3A_21, %dma_start3A_41] : memref<327680x128xf32, #tpu.memory_space<hbm>> -> memref<128x128xf32, #tpu.memory_space<hbm>>
      %dma_start3A_43 = arith.constant 0 : i32
      %dma_start3A_44 = arith.constant 0 : i32
      %dma_start3A_45 = tpu.memref_slice %arg10[%dma_start3A_36, %dma_start3A_43, %dma_start3A_44] : memref<2x128x128xf32, #tpu.memory_space<vmem>> -> memref<1x128x128xf32, #tpu.memory_space<vmem>>
      %dma_start3A_46 = tpu.memref_squeeze %dma_start3A_45 : memref<1x128x128xf32, #tpu.memory_space<vmem>> -> memref<128x128xf32, #tpu.memory_space<vmem>>
      %dma_start3A_47 = arith.constant 0 : i32
      %dma_start3A_48 = tpu.memref_slice %arg2[%mul3A_21, %dma_start3A_47] : memref<327680x128xf32, #tpu.memory_space<hbm>> -> memref<128x128xf32, #tpu.memory_space<hbm>>
      tpu.enqueue_dma source(%dma_start3A_48 : memref<128x128xf32, #tpu.memory_space<hbm>>) target(%dma_start3A_46 : memref<128x128xf32, #tpu.memory_space<vmem>>) target_semaphore(%arg14 : memref<!tpu.dma_semaphore, #tpu.memory_space<semaphore_mem>>)
      %dma_start3A_49 = arith.constant 0 : i32
      %dma_start3A_50 = arith.constant 0 : i32
      %dma_start3A_51 = arith.constant 0 : i32
      %dma_start3A_52 = tpu.memref_slice %arg11[%dma_start3A_49, %dma_start3A_50, %dma_start3A_51] : memref<2x128x16xf32, #tpu.memory_space<vmem>> -> memref<1x128x16xf32, #tpu.memory_space<vmem>>
      %dma_start3A_53 = tpu.memref_squeeze %dma_start3A_52 : memref<1x128x16xf32, #tpu.memory_space<vmem>> -> memref<128x16xf32, #tpu.memory_space<vmem>>
      %dma_start3A_54 = arith.constant 0 : i32
      %dma_start3A_55 = tpu.memref_slice %arg3[%mul3A_21, %dma_start3A_54] : memref<327680x16xf32, #tpu.memory_space<hbm>> -> memref<128x16xf32, #tpu.memory_space<hbm>>
      %dma_start3A_56 = arith.constant 0 : i32
      %dma_start3A_57 = arith.constant 0 : i32
      %dma_start3A_58 = tpu.memref_slice %arg11[%dma_start3A_49, %dma_start3A_56, %dma_start3A_57] : memref<2x128x16xf32, #tpu.memory_space<vmem>> -> memref<1x128x16xf32, #tpu.memory_space<vmem>>
      %dma_start3A_59 = tpu.memref_squeeze %dma_start3A_58 : memref<1x128x16xf32, #tpu.memory_space<vmem>> -> memref<128x16xf32, #tpu.memory_space<vmem>>
      %dma_start3A_60 = arith.constant 0 : i32
      %dma_start3A_61 = tpu.memref_slice %arg3[%mul3A_21, %dma_start3A_60] : memref<327680x16xf32, #tpu.memory_space<hbm>> -> memref<128x16xf32, #tpu.memory_space<hbm>>
      tpu.enqueue_dma source(%dma_start3A_61 : memref<128x16xf32, #tpu.memory_space<hbm>>) target(%dma_start3A_59 : memref<128x16xf32, #tpu.memory_space<vmem>>) target_semaphore(%arg16 : memref<!tpu.dma_semaphore, #tpu.memory_space<semaphore_mem>>)
      %add3A_62 = arith.constant 1 : i32
      %add3A_63 = arith.addi %add3A_17, %add3A_62 : i32
      %mul3A_64 = arith.constant 128 : i32
      %mul3A_65 = arith.muli %add3A_63, %mul3A_64 : i32
      %add3A_66 = arith.constant 1 : i32
      %add3A_67 = arith.addi %add3A_17, %add3A_66 : i32
      %dma_start3A_68 = arith.constant 1 : i32
      %dma_start3A_69 = arith.constant 0 : i32
      %dma_start3A_70 = tpu.memref_slice %arg9[%dma_start3A_68, %dma_start3A_69] : memref<2x128xi32, #tpu.memory_space<vmem>> -> memref<1x128xi32, #tpu.memory_space<vmem>>
      %dma_start3A_71 = tpu.memref_squeeze %dma_start3A_70 : memref<1x128xi32, #tpu.memory_space<vmem>> -> memref<128xi32, #tpu.memory_space<vmem>>
      %dma_start3A_72 = arith.constant 0 : i32
      %dma_start3A_73 = tpu.memref_slice %arg4[%add3A_67, %dma_start3A_72] : memref<2560x128xi32, #tpu.memory_space<hbm>> -> memref<1x128xi32, #tpu.memory_space<hbm>>
      %dma_start3A_74 = tpu.memref_squeeze %dma_start3A_73 : memref<1x128xi32, #tpu.memory_space<hbm>> -> memref<128xi32, #tpu.memory_space<hbm>>
      %dma_start3A_75 = arith.constant 0 : i32
      %dma_start3A_76 = tpu.memref_slice %arg9[%dma_start3A_68, %dma_start3A_75] : memref<2x128xi32, #tpu.memory_space<vmem>> -> memref<1x128xi32, #tpu.memory_space<vmem>>
      %dma_start3A_77 = tpu.memref_squeeze %dma_start3A_76 : memref<1x128xi32, #tpu.memory_space<vmem>> -> memref<128xi32, #tpu.memory_space<vmem>>
      %dma_start3A_78 = arith.constant 0 : i32
      %dma_start3A_79 = tpu.memref_slice %arg4[%add3A_67, %dma_start3A_78] : memref<2560x128xi32, #tpu.memory_space<hbm>> -> memref<1x128xi32, #tpu.memory_space<hbm>>
      %dma_start3A_80 = tpu.memref_squeeze %dma_start3A_79 : memref<1x128xi32, #tpu.memory_space<hbm>> -> memref<128xi32, #tpu.memory_space<hbm>>
      tpu.enqueue_dma source(%dma_start3A_80 : memref<128xi32, #tpu.memory_space<hbm>>) target(%dma_start3A_77 : memref<128xi32, #tpu.memory_space<vmem>>) target_semaphore(%arg19 : memref<!tpu.dma_semaphore, #tpu.memory_space<semaphore_mem>>)
      %dma_start3A_81 = arith.constant 1 : i32
      %dma_start3A_82 = arith.constant 0 : i32
      %dma_start3A_83 = arith.constant 0 : i32
      %dma_start3A_84 = tpu.memref_slice %arg10[%dma_start3A_81, %dma_start3A_82, %dma_start3A_83] : memref<2x128x128xf32, #tpu.memory_space<vmem>> -> memref<1x128x128xf32, #tpu.memory_space<vmem>>
      %dma_start3A_85 = tpu.memref_squeeze %dma_start3A_84 : memref<1x128x128xf32, #tpu.memory_space<vmem>> -> memref<128x128xf32, #tpu.memory_space<vmem>>
      %dma_start3A_86 = arith.constant 0 : i32
      %dma_start3A_87 = tpu.memref_slice %arg2[%mul3A_65, %dma_start3A_86] : memref<327680x128xf32, #tpu.memory_space<hbm>> -> memref<128x128xf32, #tpu.memory_space<hbm>>
      %dma_start3A_88 = arith.constant 0 : i32
      %dma_start3A_89 = arith.constant 0 : i32
      %dma_start3A_90 = tpu.memref_slice %arg10[%dma_start3A_81, %dma_start3A_88, %dma_start3A_89] : memref<2x128x128xf32, #tpu.memory_space<vmem>> -> memref<1x128x128xf32, #tpu.memory_space<vmem>>
      %dma_start3A_91 = tpu.memref_squeeze %dma_start3A_90 : memref<1x128x128xf32, #tpu.memory_space<vmem>> -> memref<128x128xf32, #tpu.memory_space<vmem>>
      %dma_start3A_92 = arith.constant 0 : i32
      %dma_start3A_93 = tpu.memref_slice %arg2[%mul3A_65, %dma_start3A_92] : memref<327680x128xf32, #tpu.memory_space<hbm>> -> memref<128x128xf32, #tpu.memory_space<hbm>>
      tpu.enqueue_dma source(%dma_start3A_93 : memref<128x128xf32, #tpu.memory_space<hbm>>) target(%dma_start3A_91 : memref<128x128xf32, #tpu.memory_space<vmem>>) target_semaphore(%arg15 : memref<!tpu.dma_semaphore, #tpu.memory_space<semaphore_mem>>)
      %dma_start3A_94 = arith.constant 1 : i32
      %dma_start3A_95 = arith.constant 0 : i32
      %dma_start3A_96 = arith.constant 0 : i32
      %dma_start3A_97 = tpu.memref_slice %arg11[%dma_start3A_94, %dma_start3A_95, %dma_start3A_96] : memref<2x128x16xf32, #tpu.memory_space<vmem>> -> memref<1x128x16xf32, #tpu.memory_space<vmem>>
      %dma_start3A_98 = tpu.memref_squeeze %dma_start3A_97 : memref<1x128x16xf32, #tpu.memory_space<vmem>> -> memref<128x16xf32, #tpu.memory_space<vmem>>
      %dma_start3A_99 = arith.constant 0 : i32
      %dma_start3A_100 = tpu.memref_slice %arg3[%mul3A_65, %dma_start3A_99] : memref<327680x16xf32, #tpu.memory_space<hbm>> -> memref<128x16xf32, #tpu.memory_space<hbm>>
      %dma_start3A_101 = arith.constant 0 : i32
      %dma_start3A_102 = arith.constant 0 : i32
      %dma_start3A_103 = tpu.memref_slice %arg11[%dma_start3A_94, %dma_start3A_101, %dma_start3A_102] : memref<2x128x16xf32, #tpu.memory_space<vmem>> -> memref<1x128x16xf32, #tpu.memory_space<vmem>>
      %dma_start3A_104 = tpu.memref_squeeze %dma_start3A_103 : memref<1x128x16xf32, #tpu.memory_space<vmem>> -> memref<128x16xf32, #tpu.memory_space<vmem>>
      %dma_start3A_105 = arith.constant 0 : i32
      %dma_start3A_106 = tpu.memref_slice %arg3[%mul3A_65, %dma_start3A_105] : memref<327680x16xf32, #tpu.memory_space<hbm>> -> memref<128x16xf32, #tpu.memory_space<hbm>>
      tpu.enqueue_dma source(%dma_start3A_106 : memref<128x16xf32, #tpu.memory_space<hbm>>) target(%dma_start3A_104 : memref<128x16xf32, #tpu.memory_space<vmem>>) target_semaphore(%arg17 : memref<!tpu.dma_semaphore, #tpu.memory_space<semaphore_mem>>)
      %dma_wait3A = arith.constant 0 : i32
      %dma_wait3A_107 = arith.constant 0 : i32
      %dma_wait3A_108 = tpu.memref_slice %arg9[%dma_wait3A, %dma_wait3A_107] : memref<2x128xi32, #tpu.memory_space<vmem>> -> memref<1x128xi32, #tpu.memory_space<vmem>>
      %dma_wait3A_109 = tpu.memref_squeeze %dma_wait3A_108 : memref<1x128xi32, #tpu.memory_space<vmem>> -> memref<128xi32, #tpu.memory_space<vmem>>
      %dma_wait3A_110 = arith.constant 0 : i32
      %dma_wait3A_111 = tpu.memref_slice %arg4[%add3A_23, %dma_wait3A_110] : memref<2560x128xi32, #tpu.memory_space<hbm>> -> memref<1x128xi32, #tpu.memory_space<hbm>>
      %dma_wait3A_112 = tpu.memref_squeeze %dma_wait3A_111 : memref<1x128xi32, #tpu.memory_space<hbm>> -> memref<128xi32, #tpu.memory_space<hbm>>
      %dma_wait3A_113 = arith.constant 0 : i32
      %dma_wait3A_114 = tpu.memref_slice %arg9[%dma_wait3A, %dma_wait3A_113] : memref<2x128xi32, #tpu.memory_space<vmem>> -> memref<1x128xi32, #tpu.memory_space<vmem>>
      %dma_wait3A_115 = tpu.memref_squeeze %dma_wait3A_114 : memref<1x128xi32, #tpu.memory_space<vmem>> -> memref<128xi32, #tpu.memory_space<vmem>>
      %dma_wait3A_116 = arith.constant 0 : i32
      %dma_wait3A_117 = tpu.memref_slice %arg4[%add3A_23, %dma_wait3A_116] : memref<2560x128xi32, #tpu.memory_space<hbm>> -> memref<1x128xi32, #tpu.memory_space<hbm>>
      %dma_wait3A_118 = tpu.memref_squeeze %dma_wait3A_117 : memref<1x128xi32, #tpu.memory_space<hbm>> -> memref<128xi32, #tpu.memory_space<hbm>>
      tpu.wait_dma2 semaphore(%arg18 : memref<!tpu.dma_semaphore, #tpu.memory_space<semaphore_mem>>) src(%dma_wait3A_118 : memref<128xi32, #tpu.memory_space<hbm>>) dst(%dma_wait3A_115 : memref<128xi32, #tpu.memory_space<vmem>>)
      %dma_wait3A_119 = arith.constant 0 : i32
      %dma_wait3A_120 = arith.constant 0 : i32
      %dma_wait3A_121 = arith.constant 0 : i32
      %dma_wait3A_122 = tpu.memref_slice %arg10[%dma_wait3A_119, %dma_wait3A_120, %dma_wait3A_121] : memref<2x128x128xf32, #tpu.memory_space<vmem>> -> memref<1x128x128xf32, #tpu.memory_space<vmem>>
      %dma_wait3A_123 = tpu.memref_squeeze %dma_wait3A_122 : memref<1x128x128xf32, #tpu.memory_space<vmem>> -> memref<128x128xf32, #tpu.memory_space<vmem>>
      %dma_wait3A_124 = arith.constant 0 : i32
      %dma_wait3A_125 = tpu.memref_slice %arg2[%mul3A_21, %dma_wait3A_124] : memref<327680x128xf32, #tpu.memory_space<hbm>> -> memref<128x128xf32, #tpu.memory_space<hbm>>
      %dma_wait3A_126 = arith.constant 0 : i32
      %dma_wait3A_127 = arith.constant 0 : i32
      %dma_wait3A_128 = tpu.memref_slice %arg10[%dma_wait3A_119, %dma_wait3A_126, %dma_wait3A_127] : memref<2x128x128xf32, #tpu.memory_space<vmem>> -> memref<1x128x128xf32, #tpu.memory_space<vmem>>
      %dma_wait3A_129 = tpu.memref_squeeze %dma_wait3A_128 : memref<1x128x128xf32, #tpu.memory_space<vmem>> -> memref<128x128xf32, #tpu.memory_space<vmem>>
      %dma_wait3A_130 = arith.constant 0 : i32
      %dma_wait3A_131 = tpu.memref_slice %arg2[%mul3A_21, %dma_wait3A_130] : memref<327680x128xf32, #tpu.memory_space<hbm>> -> memref<128x128xf32, #tpu.memory_space<hbm>>
      tpu.wait_dma2 semaphore(%arg14 : memref<!tpu.dma_semaphore, #tpu.memory_space<semaphore_mem>>) src(%dma_wait3A_131 : memref<128x128xf32, #tpu.memory_space<hbm>>) dst(%dma_wait3A_129 : memref<128x128xf32, #tpu.memory_space<vmem>>)
      %dma_wait3A_132 = arith.constant 0 : i32
      %dma_wait3A_133 = arith.constant 0 : i32
      %dma_wait3A_134 = arith.constant 0 : i32
      %dma_wait3A_135 = tpu.memref_slice %arg11[%dma_wait3A_132, %dma_wait3A_133, %dma_wait3A_134] : memref<2x128x16xf32, #tpu.memory_space<vmem>> -> memref<1x128x16xf32, #tpu.memory_space<vmem>>
      %dma_wait3A_136 = tpu.memref_squeeze %dma_wait3A_135 : memref<1x128x16xf32, #tpu.memory_space<vmem>> -> memref<128x16xf32, #tpu.memory_space<vmem>>
      %dma_wait3A_137 = arith.constant 0 : i32
      %dma_wait3A_138 = tpu.memref_slice %arg3[%mul3A_21, %dma_wait3A_137] : memref<327680x16xf32, #tpu.memory_space<hbm>> -> memref<128x16xf32, #tpu.memory_space<hbm>>
      %dma_wait3A_139 = arith.constant 0 : i32
      %dma_wait3A_140 = arith.constant 0 : i32
      %dma_wait3A_141 = tpu.memref_slice %arg11[%dma_wait3A_132, %dma_wait3A_139, %dma_wait3A_140] : memref<2x128x16xf32, #tpu.memory_space<vmem>> -> memref<1x128x16xf32, #tpu.memory_space<vmem>>
      %dma_wait3A_142 = tpu.memref_squeeze %dma_wait3A_141 : memref<1x128x16xf32, #tpu.memory_space<vmem>> -> memref<128x16xf32, #tpu.memory_space<vmem>>
      %dma_wait3A_143 = arith.constant 0 : i32
      %dma_wait3A_144 = tpu.memref_slice %arg3[%mul3A_21, %dma_wait3A_143] : memref<327680x16xf32, #tpu.memory_space<hbm>> -> memref<128x16xf32, #tpu.memory_space<hbm>>
      tpu.wait_dma2 semaphore(%arg16 : memref<!tpu.dma_semaphore, #tpu.memory_space<semaphore_mem>>) src(%dma_wait3A_144 : memref<128x16xf32, #tpu.memory_space<hbm>>) dst(%dma_wait3A_142 : memref<128x16xf32, #tpu.memory_space<vmem>>)
      %run_scoped3A = arith.constant 0 : i32
      %run_scoped3A_145 = arith.constant 0 : i32
      "tpu.region"() ({
        %run_scoped3A_191 = tpu.sem_alloc : memref<!tpu.dma_semaphore, #tpu.memory_space<semaphore_mem>>
        %dma_start3A_192 = arith.constant 0 : i32
        %dma_start3A_193 = arith.constant 0 : i32
        %dma_start3A_194 = tpu.memref_slice %arg10[%run_scoped3A, %dma_start3A_192, %dma_start3A_193] : memref<2x128x128xf32, #tpu.memory_space<vmem>> -> memref<1x128x128xf32, #tpu.memory_space<vmem>>
        %dma_start3A_195 = tpu.memref_squeeze %dma_start3A_194 : memref<1x128x128xf32, #tpu.memory_space<vmem>> -> memref<128x128xf32, #tpu.memory_space<vmem>>
        %dma_start3A_196 = arith.constant 0 : i32
        %dma_start3A_197 = tpu.memref_slice %arg9[%run_scoped3A_145, %dma_start3A_196] : memref<2x128xi32, #tpu.memory_space<vmem>> -> memref<1x128xi32, #tpu.memory_space<vmem>>
        %dma_start3A_198 = tpu.memref_squeeze %dma_start3A_197 : memref<1x128xi32, #tpu.memory_space<vmem>> -> memref<128xi32, #tpu.memory_space<vmem>>
        %dma_start3A_199 = arith.constant 0 : i32
        %dma_start3A_200 = arith.constant 0 : i32
        %dma_start3A_201 = tpu.memref_slice %arg12[%dma_start3A_199, %dma_start3A_200] : memref<10000x128xf32, #tpu.memory_space<vmem_shared>> -> memref<10000x128xf32, #tpu.memory_space<vmem_shared>>
        tpu.enqueue_indirect_dma source(%dma_start3A_195 : memref<128x128xf32, #tpu.memory_space<vmem>>) target(%dma_start3A_201 : memref<10000x128xf32, #tpu.memory_space<vmem_shared>>) offsets(%dma_start3A_198 : memref<128xi32, #tpu.memory_space<vmem>>) semaphore(%run_scoped3A_191 : memref<!tpu.dma_semaphore, #tpu.memory_space<semaphore_mem>>) {add = true}
        %dma_wait3A_202 = arith.constant 0 : i32
        %dma_wait3A_203 = arith.constant 0 : i32
        %dma_wait3A_204 = tpu.memref_slice %arg10[%run_scoped3A, %dma_wait3A_202, %dma_wait3A_203] : memref<2x128x128xf32, #tpu.memory_space<vmem>> -> memref<1x128x128xf32, #tpu.memory_space<vmem>>
        %dma_wait3A_205 = tpu.memref_squeeze %dma_wait3A_204 : memref<1x128x128xf32, #tpu.memory_space<vmem>> -> memref<128x128xf32, #tpu.memory_space<vmem>>
        %dma_wait3A_206 = arith.constant 0 : i32
        %dma_wait3A_207 = tpu.memref_slice %arg9[%run_scoped3A_145, %dma_wait3A_206] : memref<2x128xi32, #tpu.memory_space<vmem>> -> memref<1x128xi32, #tpu.memory_space<vmem>>
        %dma_wait3A_208 = tpu.memref_squeeze %dma_wait3A_207 : memref<1x128xi32, #tpu.memory_space<vmem>> -> memref<128xi32, #tpu.memory_space<vmem>>
        %dma_wait3A_209 = arith.constant 0 : i32
        %dma_wait3A_210 = arith.constant 0 : i32
        %dma_wait3A_211 = tpu.memref_slice %arg12[%dma_wait3A_209, %dma_wait3A_210] : memref<10000x128xf32, #tpu.memory_space<vmem_shared>> -> memref<10000x128xf32, #tpu.memory_space<vmem_shared>>
        tpu.wait_indirect_dma semaphore(%run_scoped3A_191 : memref<!tpu.dma_semaphore, #tpu.memory_space<semaphore_mem>>) src(%dma_wait3A_205 : memref<128x128xf32, #tpu.memory_space<vmem>>) dst(%dma_wait3A_211 : memref<10000x128xf32, #tpu.memory_space<vmem_shared>>)
        tpu.yield
      }) : () -> ()
      %run_scoped3A_146 = arith.constant 0 : i32
      %run_scoped3A_147 = arith.constant 0 : i32
      "tpu.region"() ({
        %run_scoped3A_191 = tpu.sem_alloc : memref<!tpu.dma_semaphore, #tpu.memory_space<semaphore_mem>>
        %dma_start3A_192 = arith.constant 0 : i32
        %dma_start3A_193 = arith.constant 0 : i32
        %dma_start3A_194 = tpu.memref_slice %arg11[%run_scoped3A_146, %dma_start3A_192, %dma_start3A_193] : memref<2x128x16xf32, #tpu.memory_space<vmem>> -> memref<1x128x16xf32, #tpu.memory_space<vmem>>
        %dma_start3A_195 = tpu.memref_squeeze %dma_start3A_194 : memref<1x128x16xf32, #tpu.memory_space<vmem>> -> memref<128x16xf32, #tpu.memory_space<vmem>>
        %dma_start3A_196 = arith.constant 0 : i32
        %dma_start3A_197 = tpu.memref_slice %arg9[%run_scoped3A_147, %dma_start3A_196] : memref<2x128xi32, #tpu.memory_space<vmem>> -> memref<1x128xi32, #tpu.memory_space<vmem>>
        %dma_start3A_198 = tpu.memref_squeeze %dma_start3A_197 : memref<1x128xi32, #tpu.memory_space<vmem>> -> memref<128xi32, #tpu.memory_space<vmem>>
        %dma_start3A_199 = arith.constant 0 : i32
        %dma_start3A_200 = arith.constant 0 : i32
        %dma_start3A_201 = tpu.memref_slice %arg13[%dma_start3A_199, %dma_start3A_200] : memref<10000x16xf32, #tpu.memory_space<vmem_shared>> -> memref<10000x16xf32, #tpu.memory_space<vmem_shared>>
        tpu.enqueue_indirect_dma source(%dma_start3A_195 : memref<128x16xf32, #tpu.memory_space<vmem>>) target(%dma_start3A_201 : memref<10000x16xf32, #tpu.memory_space<vmem_shared>>) offsets(%dma_start3A_198 : memref<128xi32, #tpu.memory_space<vmem>>) semaphore(%run_scoped3A_191 : memref<!tpu.dma_semaphore, #tpu.memory_space<semaphore_mem>>) {add = true}
        %dma_wait3A_202 = arith.constant 0 : i32
        %dma_wait3A_203 = arith.constant 0 : i32
        %dma_wait3A_204 = tpu.memref_slice %arg11[%run_scoped3A_146, %dma_wait3A_202, %dma_wait3A_203] : memref<2x128x16xf32, #tpu.memory_space<vmem>> -> memref<1x128x16xf32, #tpu.memory_space<vmem>>
        %dma_wait3A_205 = tpu.memref_squeeze %dma_wait3A_204 : memref<1x128x16xf32, #tpu.memory_space<vmem>> -> memref<128x16xf32, #tpu.memory_space<vmem>>
        %dma_wait3A_206 = arith.constant 0 : i32
        %dma_wait3A_207 = tpu.memref_slice %arg9[%run_scoped3A_147, %dma_wait3A_206] : memref<2x128xi32, #tpu.memory_space<vmem>> -> memref<1x128xi32, #tpu.memory_space<vmem>>
        %dma_wait3A_208 = tpu.memref_squeeze %dma_wait3A_207 : memref<1x128xi32, #tpu.memory_space<vmem>> -> memref<128xi32, #tpu.memory_space<vmem>>
        %dma_wait3A_209 = arith.constant 0 : i32
        %dma_wait3A_210 = arith.constant 0 : i32
        %dma_wait3A_211 = tpu.memref_slice %arg13[%dma_wait3A_209, %dma_wait3A_210] : memref<10000x16xf32, #tpu.memory_space<vmem_shared>> -> memref<10000x16xf32, #tpu.memory_space<vmem_shared>>
        tpu.wait_indirect_dma semaphore(%run_scoped3A_191 : memref<!tpu.dma_semaphore, #tpu.memory_space<semaphore_mem>>) src(%dma_wait3A_205 : memref<128x16xf32, #tpu.memory_space<vmem>>) dst(%dma_wait3A_211 : memref<10000x16xf32, #tpu.memory_space<vmem_shared>>)
        tpu.yield
      }) : () -> ()
      %dma_wait3A_148 = arith.constant 1 : i32
      %dma_wait3A_149 = arith.constant 0 : i32
      %dma_wait3A_150 = tpu.memref_slice %arg9[%dma_wait3A_148, %dma_wait3A_149] : memref<2x128xi32, #tpu.memory_space<vmem>> -> memref<1x128xi32, #tpu.memory_space<vmem>>
      %dma_wait3A_151 = tpu.memref_squeeze %dma_wait3A_150 : memref<1x128xi32, #tpu.memory_space<vmem>> -> memref<128xi32, #tpu.memory_space<vmem>>
      %dma_wait3A_152 = arith.constant 0 : i32
      %dma_wait3A_153 = tpu.memref_slice %arg4[%add3A_67, %dma_wait3A_152] : memref<2560x128xi32, #tpu.memory_space<hbm>> -> memref<1x128xi32, #tpu.memory_space<hbm>>
      %dma_wait3A_154 = tpu.memref_squeeze %dma_wait3A_153 : memref<1x128xi32, #tpu.memory_space<hbm>> -> memref<128xi32, #tpu.memory_space<hbm>>
      %dma_wait3A_155 = arith.constant 0 : i32
      %dma_wait3A_156 = tpu.memref_slice %arg9[%dma_wait3A_148, %dma_wait3A_155] : memref<2x128xi32, #tpu.memory_space<vmem>> -> memref<1x128xi32, #tpu.memory_space<vmem>>
      %dma_wait3A_157 = tpu.memref_squeeze %dma_wait3A_156 : memref<1x128xi32, #tpu.memory_space<vmem>> -> memref<128xi32, #tpu.memory_space<vmem>>
      %dma_wait3A_158 = arith.constant 0 : i32
      %dma_wait3A_159 = tpu.memref_slice %arg4[%add3A_67, %dma_wait3A_158] : memref<2560x128xi32, #tpu.memory_space<hbm>> -> memref<1x128xi32, #tpu.memory_space<hbm>>
      %dma_wait3A_160 = tpu.memref_squeeze %dma_wait3A_159 : memref<1x128xi32, #tpu.memory_space<hbm>> -> memref<128xi32, #tpu.memory_space<hbm>>
      tpu.wait_dma2 semaphore(%arg19 : memref<!tpu.dma_semaphore, #tpu.memory_space<semaphore_mem>>) src(%dma_wait3A_160 : memref<128xi32, #tpu.memory_space<hbm>>) dst(%dma_wait3A_157 : memref<128xi32, #tpu.memory_space<vmem>>)
      %dma_wait3A_161 = arith.constant 1 : i32
      %dma_wait3A_162 = arith.constant 0 : i32
      %dma_wait3A_163 = arith.constant 0 : i32
      %dma_wait3A_164 = tpu.memref_slice %arg10[%dma_wait3A_161, %dma_wait3A_162, %dma_wait3A_163] : memref<2x128x128xf32, #tpu.memory_space<vmem>> -> memref<1x128x128xf32, #tpu.memory_space<vmem>>
      %dma_wait3A_165 = tpu.memref_squeeze %dma_wait3A_164 : memref<1x128x128xf32, #tpu.memory_space<vmem>> -> memref<128x128xf32, #tpu.memory_space<vmem>>
      %dma_wait3A_166 = arith.constant 0 : i32
      %dma_wait3A_167 = tpu.memref_slice %arg2[%mul3A_65, %dma_wait3A_166] : memref<327680x128xf32, #tpu.memory_space<hbm>> -> memref<128x128xf32, #tpu.memory_space<hbm>>
      %dma_wait3A_168 = arith.constant 0 : i32
      %dma_wait3A_169 = arith.constant 0 : i32
      %dma_wait3A_170 = tpu.memref_slice %arg10[%dma_wait3A_161, %dma_wait3A_168, %dma_wait3A_169] : memref<2x128x128xf32, #tpu.memory_space<vmem>> -> memref<1x128x128xf32, #tpu.memory_space<vmem>>
      %dma_wait3A_171 = tpu.memref_squeeze %dma_wait3A_170 : memref<1x128x128xf32, #tpu.memory_space<vmem>> -> memref<128x128xf32, #tpu.memory_space<vmem>>
      %dma_wait3A_172 = arith.constant 0 : i32
      %dma_wait3A_173 = tpu.memref_slice %arg2[%mul3A_65, %dma_wait3A_172] : memref<327680x128xf32, #tpu.memory_space<hbm>> -> memref<128x128xf32, #tpu.memory_space<hbm>>
      tpu.wait_dma2 semaphore(%arg15 : memref<!tpu.dma_semaphore, #tpu.memory_space<semaphore_mem>>) src(%dma_wait3A_173 : memref<128x128xf32, #tpu.memory_space<hbm>>) dst(%dma_wait3A_171 : memref<128x128xf32, #tpu.memory_space<vmem>>)
      %dma_wait3A_174 = arith.constant 1 : i32
      %dma_wait3A_175 = arith.constant 0 : i32
      %dma_wait3A_176 = arith.constant 0 : i32
      %dma_wait3A_177 = tpu.memref_slice %arg11[%dma_wait3A_174, %dma_wait3A_175, %dma_wait3A_176] : memref<2x128x16xf32, #tpu.memory_space<vmem>> -> memref<1x128x16xf32, #tpu.memory_space<vmem>>
      %dma_wait3A_178 = tpu.memref_squeeze %dma_wait3A_177 : memref<1x128x16xf32, #tpu.memory_space<vmem>> -> memref<128x16xf32, #tpu.memory_space<vmem>>
      %dma_wait3A_179 = arith.constant 0 : i32
      %dma_wait3A_180 = tpu.memref_slice %arg3[%mul3A_65, %dma_wait3A_179] : memref<327680x16xf32, #tpu.memory_space<hbm>> -> memref<128x16xf32, #tpu.memory_space<hbm>>
      %dma_wait3A_181 = arith.constant 0 : i32
      %dma_wait3A_182 = arith.constant 0 : i32
      %dma_wait3A_183 = tpu.memref_slice %arg11[%dma_wait3A_174, %dma_wait3A_181, %dma_wait3A_182] : memref<2x128x16xf32, #tpu.memory_space<vmem>> -> memref<1x128x16xf32, #tpu.memory_space<vmem>>
      %dma_wait3A_184 = tpu.memref_squeeze %dma_wait3A_183 : memref<1x128x16xf32, #tpu.memory_space<vmem>> -> memref<128x16xf32, #tpu.memory_space<vmem>>
      %dma_wait3A_185 = arith.constant 0 : i32
      %dma_wait3A_186 = tpu.memref_slice %arg3[%mul3A_65, %dma_wait3A_185] : memref<327680x16xf32, #tpu.memory_space<hbm>> -> memref<128x16xf32, #tpu.memory_space<hbm>>
      tpu.wait_dma2 semaphore(%arg17 : memref<!tpu.dma_semaphore, #tpu.memory_space<semaphore_mem>>) src(%dma_wait3A_186 : memref<128x16xf32, #tpu.memory_space<hbm>>) dst(%dma_wait3A_184 : memref<128x16xf32, #tpu.memory_space<vmem>>)
      %run_scoped3A_187 = arith.constant 1 : i32
      %run_scoped3A_188 = arith.constant 1 : i32
      "tpu.region"() ({
        %run_scoped3A_191 = tpu.sem_alloc : memref<!tpu.dma_semaphore, #tpu.memory_space<semaphore_mem>>
        %dma_start3A_192 = arith.constant 0 : i32
        %dma_start3A_193 = arith.constant 0 : i32
        %dma_start3A_194 = tpu.memref_slice %arg10[%run_scoped3A_187, %dma_start3A_192, %dma_start3A_193] : memref<2x128x128xf32, #tpu.memory_space<vmem>> -> memref<1x128x128xf32, #tpu.memory_space<vmem>>
        %dma_start3A_195 = tpu.memref_squeeze %dma_start3A_194 : memref<1x128x128xf32, #tpu.memory_space<vmem>> -> memref<128x128xf32, #tpu.memory_space<vmem>>
        %dma_start3A_196 = arith.constant 0 : i32
        %dma_start3A_197 = tpu.memref_slice %arg9[%run_scoped3A_188, %dma_start3A_196] : memref<2x128xi32, #tpu.memory_space<vmem>> -> memref<1x128xi32, #tpu.memory_space<vmem>>
        %dma_start3A_198 = tpu.memref_squeeze %dma_start3A_197 : memref<1x128xi32, #tpu.memory_space<vmem>> -> memref<128xi32, #tpu.memory_space<vmem>>
        %dma_start3A_199 = arith.constant 0 : i32
        %dma_start3A_200 = arith.constant 0 : i32
        %dma_start3A_201 = tpu.memref_slice %arg12[%dma_start3A_199, %dma_start3A_200] : memref<10000x128xf32, #tpu.memory_space<vmem_shared>> -> memref<10000x128xf32, #tpu.memory_space<vmem_shared>>
        tpu.enqueue_indirect_dma source(%dma_start3A_195 : memref<128x128xf32, #tpu.memory_space<vmem>>) target(%dma_start3A_201 : memref<10000x128xf32, #tpu.memory_space<vmem_shared>>) offsets(%dma_start3A_198 : memref<128xi32, #tpu.memory_space<vmem>>) semaphore(%run_scoped3A_191 : memref<!tpu.dma_semaphore, #tpu.memory_space<semaphore_mem>>) {add = true}
        %dma_wait3A_202 = arith.constant 0 : i32
        %dma_wait3A_203 = arith.constant 0 : i32
        %dma_wait3A_204 = tpu.memref_slice %arg10[%run_scoped3A_187, %dma_wait3A_202, %dma_wait3A_203] : memref<2x128x128xf32, #tpu.memory_space<vmem>> -> memref<1x128x128xf32, #tpu.memory_space<vmem>>
        %dma_wait3A_205 = tpu.memref_squeeze %dma_wait3A_204 : memref<1x128x128xf32, #tpu.memory_space<vmem>> -> memref<128x128xf32, #tpu.memory_space<vmem>>
        %dma_wait3A_206 = arith.constant 0 : i32
        %dma_wait3A_207 = tpu.memref_slice %arg9[%run_scoped3A_188, %dma_wait3A_206] : memref<2x128xi32, #tpu.memory_space<vmem>> -> memref<1x128xi32, #tpu.memory_space<vmem>>
        %dma_wait3A_208 = tpu.memref_squeeze %dma_wait3A_207 : memref<1x128xi32, #tpu.memory_space<vmem>> -> memref<128xi32, #tpu.memory_space<vmem>>
        %dma_wait3A_209 = arith.constant 0 : i32
        %dma_wait3A_210 = arith.constant 0 : i32
        %dma_wait3A_211 = tpu.memref_slice %arg12[%dma_wait3A_209, %dma_wait3A_210] : memref<10000x128xf32, #tpu.memory_space<vmem_shared>> -> memref<10000x128xf32, #tpu.memory_space<vmem_shared>>
        tpu.wait_indirect_dma semaphore(%run_scoped3A_191 : memref<!tpu.dma_semaphore, #tpu.memory_space<semaphore_mem>>) src(%dma_wait3A_205 : memref<128x128xf32, #tpu.memory_space<vmem>>) dst(%dma_wait3A_211 : memref<10000x128xf32, #tpu.memory_space<vmem_shared>>)
        tpu.yield
      }) : () -> ()
      %run_scoped3A_189 = arith.constant 1 : i32
      %run_scoped3A_190 = arith.constant 1 : i32
      "tpu.region"() ({
        %run_scoped3A_191 = tpu.sem_alloc : memref<!tpu.dma_semaphore, #tpu.memory_space<semaphore_mem>>
        %dma_start3A_192 = arith.constant 0 : i32
        %dma_start3A_193 = arith.constant 0 : i32
        %dma_start3A_194 = tpu.memref_slice %arg11[%run_scoped3A_189, %dma_start3A_192, %dma_start3A_193] : memref<2x128x16xf32, #tpu.memory_space<vmem>> -> memref<1x128x16xf32, #tpu.memory_space<vmem>>
        %dma_start3A_195 = tpu.memref_squeeze %dma_start3A_194 : memref<1x128x16xf32, #tpu.memory_space<vmem>> -> memref<128x16xf32, #tpu.memory_space<vmem>>
        %dma_start3A_196 = arith.constant 0 : i32
        %dma_start3A_197 = tpu.memref_slice %arg9[%run_scoped3A_190, %dma_start3A_196] : memref<2x128xi32, #tpu.memory_space<vmem>> -> memref<1x128xi32, #tpu.memory_space<vmem>>
        %dma_start3A_198 = tpu.memref_squeeze %dma_start3A_197 : memref<1x128xi32, #tpu.memory_space<vmem>> -> memref<128xi32, #tpu.memory_space<vmem>>
        %dma_start3A_199 = arith.constant 0 : i32
        %dma_start3A_200 = arith.constant 0 : i32
        %dma_start3A_201 = tpu.memref_slice %arg13[%dma_start3A_199, %dma_start3A_200] : memref<10000x16xf32, #tpu.memory_space<vmem_shared>> -> memref<10000x16xf32, #tpu.memory_space<vmem_shared>>
        tpu.enqueue_indirect_dma source(%dma_start3A_195 : memref<128x16xf32, #tpu.memory_space<vmem>>) target(%dma_start3A_201 : memref<10000x16xf32, #tpu.memory_space<vmem_shared>>) offsets(%dma_start3A_198 : memref<128xi32, #tpu.memory_space<vmem>>) semaphore(%run_scoped3A_191 : memref<!tpu.dma_semaphore, #tpu.memory_space<semaphore_mem>>) {add = true}
        %dma_wait3A_202 = arith.constant 0 : i32
        %dma_wait3A_203 = arith.constant 0 : i32
        %dma_wait3A_204 = tpu.memref_slice %arg11[%run_scoped3A_189, %dma_wait3A_202, %dma_wait3A_203] : memref<2x128x16xf32, #tpu.memory_space<vmem>> -> memref<1x128x16xf32, #tpu.memory_space<vmem>>
        %dma_wait3A_205 = tpu.memref_squeeze %dma_wait3A_204 : memref<1x128x16xf32, #tpu.memory_space<vmem>> -> memref<128x16xf32, #tpu.memory_space<vmem>>
        %dma_wait3A_206 = arith.constant 0 : i32
        %dma_wait3A_207 = tpu.memref_slice %arg9[%run_scoped3A_190, %dma_wait3A_206] : memref<2x128xi32, #tpu.memory_space<vmem>> -> memref<1x128xi32, #tpu.memory_space<vmem>>
        %dma_wait3A_208 = tpu.memref_squeeze %dma_wait3A_207 : memref<1x128xi32, #tpu.memory_space<vmem>> -> memref<128xi32, #tpu.memory_space<vmem>>
        %dma_wait3A_209 = arith.constant 0 : i32
        %dma_wait3A_210 = arith.constant 0 : i32
        %dma_wait3A_211 = tpu.memref_slice %arg13[%dma_wait3A_209, %dma_wait3A_210] : memref<10000x16xf32, #tpu.memory_space<vmem_shared>> -> memref<10000x16xf32, #tpu.memory_space<vmem_shared>>
        tpu.wait_indirect_dma semaphore(%run_scoped3A_191 : memref<!tpu.dma_semaphore, #tpu.memory_space<semaphore_mem>>) src(%dma_wait3A_205 : memref<128x16xf32, #tpu.memory_space<vmem>>) dst(%dma_wait3A_211 : memref<10000x16xf32, #tpu.memory_space<vmem_shared>>)
        tpu.yield
      }) : () -> ()
    }
    %scan3A_8 = arith.constant 40 : i32
    %barrier3A_9 = arith.constant 0 : index
    tpu.barrier barrier_id(%barrier3A_9)
    "tpu.region"() ({
      %run_scoped3A = tpu.sem_alloc : memref<!tpu.dma_semaphore, #tpu.memory_space<semaphore_mem>>
      %dma_start3A = arith.constant 0 : i32
      %dma_start3A_10 = tpu.memref_slice %arg7[%arg0, %mul3A_4, %dma_start3A] : memref<2x10000x128xf32, #tpu.memory_space<hbm>> -> memref<1x625x128xf32, #tpu.memory_space<hbm>>
      %dma_start3A_11 = tpu.memref_squeeze %dma_start3A_10 : memref<1x625x128xf32, #tpu.memory_space<hbm>> -> memref<625x128xf32, #tpu.memory_space<hbm>>
      %dma_start3A_12 = arith.constant 0 : i32
      %dma_start3A_13 = tpu.memref_slice %arg12[%mul3A_4, %dma_start3A_12] : memref<10000x128xf32, #tpu.memory_space<vmem_shared>> -> memref<625x128xf32, #tpu.memory_space<vmem_shared>>
      tpu.enqueue_dma source(%dma_start3A_13 : memref<625x128xf32, #tpu.memory_space<vmem_shared>>) target(%dma_start3A_11 : memref<625x128xf32, #tpu.memory_space<hbm>>) target_semaphore(%run_scoped3A : memref<!tpu.dma_semaphore, #tpu.memory_space<semaphore_mem>>)
      %dma_wait3A = arith.constant 0 : i32
      %dma_wait3A_14 = tpu.memref_slice %arg7[%arg0, %mul3A_4, %dma_wait3A] : memref<2x10000x128xf32, #tpu.memory_space<hbm>> -> memref<1x625x128xf32, #tpu.memory_space<hbm>>
      %dma_wait3A_15 = tpu.memref_squeeze %dma_wait3A_14 : memref<1x625x128xf32, #tpu.memory_space<hbm>> -> memref<625x128xf32, #tpu.memory_space<hbm>>
      %dma_wait3A_16 = arith.constant 0 : i32
      %dma_wait3A_17 = tpu.memref_slice %arg12[%mul3A_4, %dma_wait3A_16] : memref<10000x128xf32, #tpu.memory_space<vmem_shared>> -> memref<625x128xf32, #tpu.memory_space<vmem_shared>>
      tpu.wait_dma2 semaphore(%run_scoped3A : memref<!tpu.dma_semaphore, #tpu.memory_space<semaphore_mem>>) src(%dma_wait3A_17 : memref<625x128xf32, #tpu.memory_space<vmem_shared>>) dst(%dma_wait3A_15 : memref<625x128xf32, #tpu.memory_space<hbm>>)
      tpu.yield
    }) : () -> ()
    "tpu.region"() ({
      %run_scoped3A = tpu.sem_alloc : memref<!tpu.dma_semaphore, #tpu.memory_space<semaphore_mem>>
      %dma_start3A = arith.constant 0 : i32
      %dma_start3A_10 = tpu.memref_slice %arg8[%arg0, %mul3A_4, %dma_start3A] : memref<2x10000x16xf32, #tpu.memory_space<hbm>> -> memref<1x625x16xf32, #tpu.memory_space<hbm>>
      %dma_start3A_11 = tpu.memref_squeeze %dma_start3A_10 : memref<1x625x16xf32, #tpu.memory_space<hbm>> -> memref<625x16xf32, #tpu.memory_space<hbm>>
      %dma_start3A_12 = arith.constant 0 : i32
      %dma_start3A_13 = tpu.memref_slice %arg13[%mul3A_4, %dma_start3A_12] : memref<10000x16xf32, #tpu.memory_space<vmem_shared>> -> memref<625x16xf32, #tpu.memory_space<vmem_shared>>
      tpu.enqueue_dma source(%dma_start3A_13 : memref<625x16xf32, #tpu.memory_space<vmem_shared>>) target(%dma_start3A_11 : memref<625x16xf32, #tpu.memory_space<hbm>>) target_semaphore(%run_scoped3A : memref<!tpu.dma_semaphore, #tpu.memory_space<semaphore_mem>>)
      %dma_wait3A = arith.constant 0 : i32
      %dma_wait3A_14 = tpu.memref_slice %arg8[%arg0, %mul3A_4, %dma_wait3A] : memref<2x10000x16xf32, #tpu.memory_space<hbm>> -> memref<1x625x16xf32, #tpu.memory_space<hbm>>
      %dma_wait3A_15 = tpu.memref_squeeze %dma_wait3A_14 : memref<1x625x16xf32, #tpu.memory_space<hbm>> -> memref<625x16xf32, #tpu.memory_space<hbm>>
      %dma_wait3A_16 = arith.constant 0 : i32
      %dma_wait3A_17 = tpu.memref_slice %arg13[%mul3A_4, %dma_wait3A_16] : memref<10000x16xf32, #tpu.memory_space<vmem_shared>> -> memref<625x16xf32, #tpu.memory_space<vmem_shared>>
      tpu.wait_dma2 semaphore(%run_scoped3A : memref<!tpu.dma_semaphore, #tpu.memory_space<semaphore_mem>>) src(%dma_wait3A_17 : memref<625x16xf32, #tpu.memory_space<vmem_shared>>) dst(%dma_wait3A_15 : memref<625x16xf32, #tpu.memory_space<hbm>>)
      tpu.yield
    }) : () -> ()
    return
  }
}

module attributes {stable_mosaic.version = 14 : i64} {
  func.func @body(%arg0: i32, %arg1: memref<2000x128xf32, #tpu.memory_space<vmem>>, %arg2: memref<2000x16xf32, #tpu.memory_space<vmem>>, %arg3: memref<128x128xf32, #tpu.memory_space<vmem>>, %arg4: memref<1x128xf32, #tpu.memory_space<vmem>>, %arg5: memref<128x128xf32, #tpu.memory_space<vmem>>, %arg6: memref<2000x144xf32, #tpu.memory_space<vmem>>, %arg7: memref<2000x144xf32, #tpu.memory_space<vmem>>) attributes {dimension_semantics = [#tpu.dimension_semantics<arbitrary>], iteration_bounds = array<i64: 5>, scalar_prefetch = 0 : i64, scratch_operands = 0 : i64, tpu.core_type = #tpu.core_type<tc>, window_params = [{transform_indices = @transform_0, window_bounds = array<i64: 2000, 128>}, {transform_indices = @transform_1, window_bounds = array<i64: 2000, 16>}, {pipeline_mode = #tpu.pipeline_mode<synchronous>, transform_indices = @transform_2, window_bounds = array<i64: 128, 128>}, {pipeline_mode = #tpu.pipeline_mode<synchronous>, transform_indices = @transform_3, window_bounds = array<i64: 1, 128>}, {pipeline_mode = #tpu.pipeline_mode<synchronous>, transform_indices = @transform_4, window_bounds = array<i64: 128, 128>}, {transform_indices = @transform_5, window_bounds = array<i64: 2000, 144>}, {transform_indices = @transform_6, window_bounds = array<i64: 2000, 144>}]} {
    %get3A = arith.constant 0 : index
    %get3A_0 = arith.constant 0 : index
    %get3A_1 = vector.load %arg1[%get3A, %get3A_0] : memref<2000x128xf32, #tpu.memory_space<vmem>>, vector<2000x128xf32>
    %get3A_2 = arith.constant 0 : index
    %get3A_3 = arith.constant 0 : index
    %get3A_4 = vector.load %arg3[%get3A_2, %get3A_3] : memref<128x128xf32, #tpu.memory_space<vmem>>, vector<128x128xf32>
    %dot_general3A = arith.constant dense<0.000000e+00> : vector<2000x128xf32>
    %dot_general3A_5 = tpu.matmul %get3A_1, %get3A_4, %dot_general3A {dimension_numbers = #tpu.dot_dimension_numbers<[1], [0], [0], [1], [0, 0, 1, 1], [], []>, transpose_lhs_hint = false} : vector<2000x128xf32>, vector<128x128xf32>, vector<2000x128xf32> -> vector<2000x128xf32>
    %get3A_6 = arith.constant 0 : index
    %get3A_7 = arith.constant 0 : index
    %get3A_8 = vector.load %arg4[%get3A_6, %get3A_7] : memref<1x128xf32, #tpu.memory_space<vmem>>, vector<1x128xf32>
    %add3A = vector.broadcast %get3A_8 : vector<1x128xf32> to vector<2000x128xf32>
    %add3A_9 = arith.addf %dot_general3A_5, %add3A : vector<2000x128xf32>
    %swap3A = arith.constant 0 : index
    %swap3A_10 = arith.constant 0 : index
    %swap3A_11 = vector.load %arg6[%swap3A, %swap3A_10] : memref<2000x144xf32, #tpu.memory_space<vmem>>, vector<2000x128xf32>
    tpu.vector_store %arg6[%swap3A, %swap3A_10], %add3A_9 {strides = array<i32>} : memref<2000x144xf32, #tpu.memory_space<vmem>>, vector<2000x128xf32>,
    %get3A_12 = arith.constant 0 : index
    %get3A_13 = arith.constant 0 : index
    %get3A_14 = vector.load %arg2[%get3A_12, %get3A_13] : memref<2000x16xf32, #tpu.memory_space<vmem>>, vector<2000x16xf32>
    %swap3A_15 = arith.constant 0 : index
    %swap3A_16 = arith.constant 128 : index
    %swap3A_17 = vector.load %arg6[%swap3A_15, %swap3A_16] : memref<2000x144xf32, #tpu.memory_space<vmem>>, vector<2000x16xf32>
    tpu.vector_store %arg6[%swap3A_15, %swap3A_16], %get3A_14 {strides = array<i32>} : memref<2000x144xf32, #tpu.memory_space<vmem>>, vector<2000x16xf32>,
    %get3A_18 = arith.constant 0 : index
    %get3A_19 = arith.constant 0 : index
    %get3A_20 = vector.load %arg5[%get3A_18, %get3A_19] : memref<128x128xf32, #tpu.memory_space<vmem>>, vector<128x128xf32>
    %dot_general3A_21 = arith.constant dense<0.000000e+00> : vector<2000x128xf32>
    %dot_general3A_22 = tpu.matmul %get3A_1, %get3A_20, %dot_general3A_21 {dimension_numbers = #tpu.dot_dimension_numbers<[1], [0], [0], [1], [0, 0, 1, 1], [], []>, transpose_lhs_hint = false} : vector<2000x128xf32>, vector<128x128xf32>, vector<2000x128xf32> -> vector<2000x128xf32>
    %swap3A_23 = arith.constant 0 : index
    %swap3A_24 = arith.constant 0 : index
    %swap3A_25 = vector.load %arg7[%swap3A_23, %swap3A_24] : memref<2000x144xf32, #tpu.memory_space<vmem>>, vector<2000x128xf32>
    tpu.vector_store %arg7[%swap3A_23, %swap3A_24], %dot_general3A_22 {strides = array<i32>} : memref<2000x144xf32, #tpu.memory_space<vmem>>, vector<2000x128xf32>,
    %get3A_26 = arith.constant 0 : index
    %get3A_27 = arith.constant 0 : index
    %get3A_28 = vector.load %arg2[%get3A_26, %get3A_27] : memref<2000x16xf32, #tpu.memory_space<vmem>>, vector<2000x16xf32>
    %swap3A_29 = arith.constant 0 : index
    %swap3A_30 = arith.constant 128 : index
    %swap3A_31 = vector.load %arg7[%swap3A_29, %swap3A_30] : memref<2000x144xf32, #tpu.memory_space<vmem>>, vector<2000x16xf32>
    tpu.vector_store %arg7[%swap3A_29, %swap3A_30], %get3A_28 {strides = array<i32>} : memref<2000x144xf32, #tpu.memory_space<vmem>>, vector<2000x16xf32>,
    return
  }
  func.func @transform_0(%arg0: i32) -> (i32, i32) {
    %c0_i32 = arith.constant 0 : i32
    %c0_i32_0 = arith.constant 0 : i32
    return %arg0, %c0_i32 : i32, i32
  }
  func.func @transform_1(%arg0: i32) -> (i32, i32) {
    %c0_i32 = arith.constant 0 : i32
    %c0_i32_0 = arith.constant 0 : i32
    return %arg0, %c0_i32 : i32, i32
  }
  func.func @transform_2(%arg0: i32) -> (i32, i32) {
    %c0_i32 = arith.constant 0 : i32
    %c0_i32_0 = arith.constant 0 : i32
    %c0_i32_1 = arith.constant 0 : i32
    return %c0_i32, %c0_i32_0 : i32, i32
  }
  func.func @transform_3(%arg0: i32) -> (i32, i32) {
    %c0_i32 = arith.constant 0 : i32
    %c0_i32_0 = arith.constant 0 : i32
    %c0_i32_1 = arith.constant 0 : i32
    return %c0_i32, %c0_i32_0 : i32, i32
  }
  func.func @transform_4(%arg0: i32) -> (i32, i32) {
    %c0_i32 = arith.constant 0 : i32
    %c0_i32_0 = arith.constant 0 : i32
    %c0_i32_1 = arith.constant 0 : i32
    return %c0_i32, %c0_i32_0 : i32, i32
  }
  func.func @transform_5(%arg0: i32) -> (i32, i32) {
    %c0_i32 = arith.constant 0 : i32
    %c0_i32_0 = arith.constant 0 : i32
    return %arg0, %c0_i32 : i32, i32
  }
  func.func @transform_6(%arg0: i32) -> (i32, i32) {
    %c0_i32 = arith.constant 0 : i32
    %c0_i32_0 = arith.constant 0 : i32
    return %arg0, %c0_i32 : i32, i32
  }
}

module attributes {stable_mosaic.version = 14 : i64} {
  func.func @body(%arg0: i32, %arg1: memref<2048x144xf32, #tpu.memory_space<vmem>>, %arg2: memref<2048x16xf32, #tpu.memory_space<vmem>>, %arg3: memref<1x128xf32, #tpu.memory_space<vmem>>, %arg4: memref<16x128xf32, #tpu.memory_space<vmem>>, %arg5: memref<128x128xf32, #tpu.memory_space<vmem>>, %arg6: memref<1x128xf32, #tpu.memory_space<vmem>>, %arg7: memref<128x128xf32, #tpu.memory_space<vmem>>, %arg8: memref<1x128xf32, #tpu.memory_space<vmem>>, %arg9: memref<1x128xf32, #tpu.memory_space<vmem>>, %arg10: memref<2048x128xf32, #tpu.memory_space<vmem>>, %arg11: memref<2048x16xf32, #tpu.memory_space<vmem>>) attributes {dimension_semantics = [#tpu.dimension_semantics<arbitrary>], iteration_bounds = array<i64: 160>, scalar_prefetch = 0 : i64, scratch_operands = 0 : i64, tpu.core_type = #tpu.core_type<tc>, window_params = [{transform_indices = @transform_0, window_bounds = array<i64: 2048, 144>}, {transform_indices = @transform_1, window_bounds = array<i64: 2048, 16>}, {pipeline_mode = #tpu.pipeline_mode<synchronous>, transform_indices = @transform_2, window_bounds = array<i64: 1, 128>}, {pipeline_mode = #tpu.pipeline_mode<synchronous>, transform_indices = @transform_3, window_bounds = array<i64: 16, 128>}, {pipeline_mode = #tpu.pipeline_mode<synchronous>, transform_indices = @transform_4, window_bounds = array<i64: 128, 128>}, {pipeline_mode = #tpu.pipeline_mode<synchronous>, transform_indices = @transform_5, window_bounds = array<i64: 1, 128>}, {pipeline_mode = #tpu.pipeline_mode<synchronous>, transform_indices = @transform_6, window_bounds = array<i64: 128, 128>}, {pipeline_mode = #tpu.pipeline_mode<synchronous>, transform_indices = @transform_7, window_bounds = array<i64: 1, 128>}, {pipeline_mode = #tpu.pipeline_mode<synchronous>, transform_indices = @transform_8, window_bounds = array<i64: 1, 128>}, {transform_indices = @transform_9, window_bounds = array<i64: 2048, 128>}, {transform_indices = @transform_10, window_bounds = array<i64: 2048, 16>}]} {
    %get3A = arith.constant 0 : index
    %get3A_0 = arith.constant 0 : index
    %get3A_1 = vector.load %arg1[%get3A, %get3A_0] : memref<2048x144xf32, #tpu.memory_space<vmem>>, vector<2048x128xf32>
    %get3A_2 = arith.constant 0 : index
    %get3A_3 = arith.constant 128 : index
    %get3A_4 = vector.load %arg1[%get3A_2, %get3A_3] : memref<2048x144xf32, #tpu.memory_space<vmem>>, vector<2048x16xf32>
    %mul3A = arith.mulf %get3A_4, %get3A_4 : vector<2048x16xf32>
    %reduce_sum3A = arith.constant dense<0.000000e+00> : vector<2048xf32>
    %reduce_sum3A_5 = vector.multi_reduction <add>, %mul3A, %reduce_sum3A [1] : vector<2048x16xf32> to vector<2048xf32>
    %broadcast_in_dim3A = vector.shape_cast %reduce_sum3A_5 : vector<2048xf32> to vector<2048x1xf32>
    %get3A_6 = arith.constant 0 : index
    %get3A_7 = arith.constant 0 : index
    %get3A_8 = vector.load %arg3[%get3A_6, %get3A_7] : memref<1x128xf32, #tpu.memory_space<vmem>>, vector<1x128xf32>
    %mul3A_9 = vector.broadcast %broadcast_in_dim3A : vector<2048x1xf32> to vector<2048x128xf32>
    %mul3A_10 = vector.broadcast %get3A_8 : vector<1x128xf32> to vector<2048x128xf32>
    %mul3A_11 = arith.mulf %mul3A_9, %mul3A_10 : vector<2048x128xf32>
    %add3A = arith.addf %get3A_1, %mul3A_11 : vector<2048x128xf32>
    %get3A_12 = arith.constant 0 : index
    %get3A_13 = arith.constant 0 : index
    %get3A_14 = vector.load %arg2[%get3A_12, %get3A_13] : memref<2048x16xf32, #tpu.memory_space<vmem>>, vector<2048x16xf32>
    %get3A_15 = arith.constant 0 : index
    %get3A_16 = arith.constant 0 : index
    %get3A_17 = vector.load %arg4[%get3A_15, %get3A_16] : memref<16x128xf32, #tpu.memory_space<vmem>>, vector<16x128xf32>
    %dot_general3A = arith.constant dense<0.000000e+00> : vector<2048x128xf32>
    %dot_general3A_18 = tpu.matmul %get3A_14, %get3A_17, %dot_general3A {dimension_numbers = #tpu.dot_dimension_numbers<[1], [0], [0], [1], [0, 0, 1, 1], [], []>, transpose_lhs_hint = false} : vector<2048x16xf32>, vector<16x128xf32>, vector<2048x128xf32> -> vector<2048x128xf32>
    %add3A_19 = arith.addf %add3A, %dot_general3A_18 : vector<2048x128xf32>
    %logistic3A = arith.negf %add3A_19 : vector<2048x128xf32>
    %logistic3A_20 = math.exp %logistic3A : vector<2048x128xf32>
    %logistic3A_21 = arith.constant 1.000000e+00 : f32
    %logistic3A_22 = vector.broadcast %logistic3A_21 : f32 to vector<2048x128xf32>
    %logistic3A_23 = arith.addf %logistic3A_22, %logistic3A_20 : vector<2048x128xf32>
    %logistic3A_24 = arith.divf %logistic3A_22, %logistic3A_23 : vector<2048x128xf32>
    %mul3A_25 = arith.mulf %add3A_19, %logistic3A_24 : vector<2048x128xf32>
    %get3A_26 = arith.constant 0 : index
    %get3A_27 = arith.constant 0 : index
    %get3A_28 = vector.load %arg5[%get3A_26, %get3A_27] : memref<128x128xf32, #tpu.memory_space<vmem>>, vector<128x128xf32>
    %dot_general3A_29 = arith.constant dense<0.000000e+00> : vector<2048x128xf32>
    %dot_general3A_30 = tpu.matmul %mul3A_25, %get3A_28, %dot_general3A_29 {dimension_numbers = #tpu.dot_dimension_numbers<[1], [0], [0], [1], [0, 0, 1, 1], [], []>, transpose_lhs_hint = false} : vector<2048x128xf32>, vector<128x128xf32>, vector<2048x128xf32> -> vector<2048x128xf32>
    %get3A_31 = arith.constant 0 : index
    %get3A_32 = arith.constant 0 : index
    %get3A_33 = vector.load %arg6[%get3A_31, %get3A_32] : memref<1x128xf32, #tpu.memory_space<vmem>>, vector<1x128xf32>
    %add3A_34 = vector.broadcast %get3A_33 : vector<1x128xf32> to vector<2048x128xf32>
    %add3A_35 = arith.addf %dot_general3A_30, %add3A_34 : vector<2048x128xf32>
    %logistic3A_36 = arith.negf %add3A_35 : vector<2048x128xf32>
    %logistic3A_37 = math.exp %logistic3A_36 : vector<2048x128xf32>
    %logistic3A_38 = arith.constant 1.000000e+00 : f32
    %logistic3A_39 = vector.broadcast %logistic3A_38 : f32 to vector<2048x128xf32>
    %logistic3A_40 = arith.addf %logistic3A_39, %logistic3A_37 : vector<2048x128xf32>
    %logistic3A_41 = arith.divf %logistic3A_39, %logistic3A_40 : vector<2048x128xf32>
    %mul3A_42 = arith.mulf %add3A_35, %logistic3A_41 : vector<2048x128xf32>
    %get3A_43 = arith.constant 0 : index
    %get3A_44 = arith.constant 0 : index
    %get3A_45 = vector.load %arg7[%get3A_43, %get3A_44] : memref<128x128xf32, #tpu.memory_space<vmem>>, vector<128x128xf32>
    %dot_general3A_46 = arith.constant dense<0.000000e+00> : vector<2048x128xf32>
    %dot_general3A_47 = tpu.matmul %mul3A_42, %get3A_45, %dot_general3A_46 {dimension_numbers = #tpu.dot_dimension_numbers<[1], [0], [0], [1], [0, 0, 1, 1], [], []>, transpose_lhs_hint = false} : vector<2048x128xf32>, vector<128x128xf32>, vector<2048x128xf32> -> vector<2048x128xf32>
    %get3A_48 = arith.constant 0 : index
    %get3A_49 = arith.constant 0 : index
    %get3A_50 = vector.load %arg8[%get3A_48, %get3A_49] : memref<1x128xf32, #tpu.memory_space<vmem>>, vector<1x128xf32>
    %add3A_51 = vector.broadcast %get3A_50 : vector<1x128xf32> to vector<2048x128xf32>
    %add3A_52 = arith.addf %dot_general3A_47, %add3A_51 : vector<2048x128xf32>
    %logistic3A_53 = arith.negf %add3A_52 : vector<2048x128xf32>
    %logistic3A_54 = math.exp %logistic3A_53 : vector<2048x128xf32>
    %logistic3A_55 = arith.constant 1.000000e+00 : f32
    %logistic3A_56 = vector.broadcast %logistic3A_55 : f32 to vector<2048x128xf32>
    %logistic3A_57 = arith.addf %logistic3A_56, %logistic3A_54 : vector<2048x128xf32>
    %logistic3A_58 = arith.divf %logistic3A_56, %logistic3A_57 : vector<2048x128xf32>
    %mul3A_59 = arith.mulf %add3A_52, %logistic3A_58 : vector<2048x128xf32>
    %get3A_60 = arith.constant 0 : index
    %get3A_61 = arith.constant 0 : index
    %get3A_62 = vector.load %arg9[%get3A_60, %get3A_61] : memref<1x128xf32, #tpu.memory_space<vmem>>, vector<1x128xf32>
    %mul3A_63 = vector.broadcast %get3A_62 : vector<1x128xf32> to vector<2048x128xf32>
    %mul3A_64 = arith.mulf %mul3A_59, %mul3A_63 : vector<2048x128xf32>
    %reduce_sum3A_65 = arith.constant dense<0.000000e+00> : vector<2048xf32>
    %reduce_sum3A_66 = vector.multi_reduction <add>, %mul3A_64, %reduce_sum3A_65 [1] : vector<2048x128xf32> to vector<2048xf32>
    %broadcast_in_dim3A_67 = vector.shape_cast %reduce_sum3A_66 : vector<2048xf32> to vector<2048x1xf32>
    %sqrt3A = math.sqrt %broadcast_in_dim3A : vector<2048x1xf32>
    %add3A_68 = arith.constant 1.000000e-30 : f32
    %add3A_69 = vector.broadcast %add3A_68 : f32 to vector<2048x1xf32>
    %add3A_70 = arith.addf %sqrt3A, %add3A_69 : vector<2048x1xf32>
    %div3A = arith.divf %broadcast_in_dim3A_67, %add3A_70 : vector<2048x1xf32>
    %iota3A = tpu.iota {dimensions = array<i32: 0>} : vector<2048x1xi32>
    %mul3A_71 = arith.constant 2048 : i32
    %mul3A_72 = arith.muli %arg0, %mul3A_71 : i32
    %add3A_73 = vector.broadcast %mul3A_72 : i32 to vector<2048x1xi32>
    %add3A_74 = arith.addi %iota3A, %add3A_73 : vector<2048x1xi32>
    %lt3A = arith.constant 320000 : i32
    %lt3A_75 = vector.broadcast %lt3A : i32 to vector<2048x1xi32>
    %lt3A_76 = arith.cmpi slt, %add3A_74, %lt3A_75 : vector<2048x1xi32>
    %jit3A = arith.constant 0.000000e+00 : f32
    %broadcast_in_dim3A_77 = vector.shape_cast %lt3A_76 : vector<2048x1xi1> to vector<2048x1xi1>
    %broadcast_in_dim3A_78 = vector.broadcast %broadcast_in_dim3A_77 : vector<2048x1xi1> to vector<2048x128xi1>
    %broadcast_in_dim3A_79 = vector.broadcast %jit3A : f32 to vector<2048x128xf32>
    %select_n3A = arith.select %broadcast_in_dim3A_78, %mul3A_42, %broadcast_in_dim3A_79 : vector<2048x128xi1>, vector<2048x128xf32>
    %swap3A = arith.constant 0 : index
    %swap3A_80 = arith.constant 0 : index
    %swap3A_81 = vector.load %arg10[%swap3A, %swap3A_80] : memref<2048x128xf32, #tpu.memory_space<vmem>>, vector<2048x128xf32>
    tpu.vector_store %arg10[%swap3A, %swap3A_80], %select_n3A {strides = array<i32>} : memref<2048x128xf32, #tpu.memory_space<vmem>>, vector<2048x128xf32>,
    %iota3A_82 = tpu.iota {dimensions = array<i32: 1>} : vector<1x16xi32>
    %mul3A_83 = vector.broadcast %div3A : vector<2048x1xf32> to vector<2048x16xf32>
    %mul3A_84 = arith.mulf %mul3A_83, %get3A_4 : vector<2048x16xf32>
    %eq3A = arith.constant 3 : i32
    %eq3A_85 = vector.broadcast %eq3A : i32 to vector<1x16xi32>
    %eq3A_86 = arith.cmpi eq, %iota3A_82, %eq3A_85 : vector<1x16xi32>
    %jit3A_87 = arith.constant 1.000000e+00 : f32
    %jit3A_88 = arith.constant 0.000000e+00 : f32
    %broadcast_in_dim3A_89 = vector.broadcast %jit3A_87 : f32 to vector<1x16xf32>
    %broadcast_in_dim3A_90 = vector.broadcast %jit3A_88 : f32 to vector<1x16xf32>
    %select_n3A_91 = arith.select %eq3A_86, %broadcast_in_dim3A_89, %broadcast_in_dim3A_90 : vector<1x16xi1>, vector<1x16xf32>
    %add3A_92 = vector.broadcast %select_n3A_91 : vector<1x16xf32> to vector<2048x16xf32>
    %add3A_93 = arith.addf %mul3A_84, %add3A_92 : vector<2048x16xf32>
    %jit3A_94 = arith.constant 0.000000e+00 : f32
    %broadcast_in_dim3A_95 = vector.shape_cast %lt3A_76 : vector<2048x1xi1> to vector<2048x1xi1>
    %broadcast_in_dim3A_96 = vector.broadcast %broadcast_in_dim3A_95 : vector<2048x1xi1> to vector<2048x16xi1>
    %broadcast_in_dim3A_97 = vector.broadcast %jit3A_94 : f32 to vector<2048x16xf32>
    %select_n3A_98 = arith.select %broadcast_in_dim3A_96, %add3A_93, %broadcast_in_dim3A_97 : vector<2048x16xi1>, vector<2048x16xf32>
    %swap3A_99 = arith.constant 0 : index
    %swap3A_100 = arith.constant 0 : index
    %swap3A_101 = vector.load %arg11[%swap3A_99, %swap3A_100] : memref<2048x16xf32, #tpu.memory_space<vmem>>, vector<2048x16xf32>
    tpu.vector_store %arg11[%swap3A_99, %swap3A_100], %select_n3A_98 {strides = array<i32>} : memref<2048x16xf32, #tpu.memory_space<vmem>>, vector<2048x16xf32>,
    return
  }
  func.func @transform_0(%arg0: i32) -> (i32, i32) {
    %c0_i32 = arith.constant 0 : i32
    %c0_i32_0 = arith.constant 0 : i32
    return %arg0, %c0_i32 : i32, i32
  }
  func.func @transform_1(%arg0: i32) -> (i32, i32) {
    %c0_i32 = arith.constant 0 : i32
    %c0_i32_0 = arith.constant 0 : i32
    return %arg0, %c0_i32 : i32, i32
  }
  func.func @transform_2(%arg0: i32) -> (i32, i32) {
    %c0_i32 = arith.constant 0 : i32
    %c0_i32_0 = arith.constant 0 : i32
    %c0_i32_1 = arith.constant 0 : i32
    return %c0_i32, %c0_i32_0 : i32, i32
  }
  func.func @transform_3(%arg0: i32) -> (i32, i32) {
    %c0_i32 = arith.constant 0 : i32
    %c0_i32_0 = arith.constant 0 : i32
    %c0_i32_1 = arith.constant 0 : i32
    return %c0_i32, %c0_i32_0 : i32, i32
  }
  func.func @transform_4(%arg0: i32) -> (i32, i32) {
    %c0_i32 = arith.constant 0 : i32
    %c0_i32_0 = arith.constant 0 : i32
    %c0_i32_1 = arith.constant 0 : i32
    return %c0_i32, %c0_i32_0 : i32, i32
  }
  func.func @transform_5(%arg0: i32) -> (i32, i32) {
    %c0_i32 = arith.constant 0 : i32
    %c0_i32_0 = arith.constant 0 : i32
    %c0_i32_1 = arith.constant 0 : i32
    return %c0_i32, %c0_i32_0 : i32, i32
  }
  func.func @transform_6(%arg0: i32) -> (i32, i32) {
    %c0_i32 = arith.constant 0 : i32
    %c0_i32_0 = arith.constant 0 : i32
    %c0_i32_1 = arith.constant 0 : i32
    return %c0_i32, %c0_i32_0 : i32, i32
  }
  func.func @transform_7(%arg0: i32) -> (i32, i32) {
    %c0_i32 = arith.constant 0 : i32
    %c0_i32_0 = arith.constant 0 : i32
    %c0_i32_1 = arith.constant 0 : i32
    return %c0_i32, %c0_i32_0 : i32, i32
  }
  func.func @transform_8(%arg0: i32) -> (i32, i32) {
    %c0_i32 = arith.constant 0 : i32
    %c0_i32_0 = arith.constant 0 : i32
    %c0_i32_1 = arith.constant 0 : i32
    return %c0_i32, %c0_i32_0 : i32, i32
  }
  func.func @transform_9(%arg0: i32) -> (i32, i32) {
    %c0_i32 = arith.constant 0 : i32
    %c0_i32_0 = arith.constant 0 : i32
    return %arg0, %c0_i32 : i32, i32
  }
  func.func @transform_10(%arg0: i32) -> (i32, i32) {
    %c0_i32 = arith.constant 0 : i32
    %c0_i32_0 = arith.constant 0 : i32
    return %arg0, %c0_i32 : i32, i32
  }
}

module attributes {stable_mosaic.version = 14 : i64} {
  func.func @body(%arg0: i32, %arg1: memref<2000x128xf32, #tpu.memory_space<vmem>>, %arg2: memref<2000x16xf32, #tpu.memory_space<vmem>>, %arg3: memref<2000x128xf32, #tpu.memory_space<vmem>>, %arg4: memref<2000x128xf32, #tpu.memory_space<vmem>>, %arg5: memref<2000x16xf32, #tpu.memory_space<vmem>>, %arg6: memref<2000x16xf32, #tpu.memory_space<vmem>>, %arg7: memref<128x128xf32, #tpu.memory_space<vmem>>, %arg8: memref<128x128xf32, #tpu.memory_space<vmem>>, %arg9: memref<1x128xf32, #tpu.memory_space<vmem>>, %arg10: memref<128x128xf32, #tpu.memory_space<vmem>>, %arg11: memref<1x128xf32, #tpu.memory_space<vmem>>, %arg12: memref<2000x128xf32, #tpu.memory_space<vmem>>, %arg13: memref<2000x16xf32, #tpu.memory_space<vmem>>) attributes {dimension_semantics = [#tpu.dimension_semantics<arbitrary>], iteration_bounds = array<i64: 5>, scalar_prefetch = 0 : i64, scratch_operands = 0 : i64, tpu.core_type = #tpu.core_type<tc>, window_params = [{transform_indices = @transform_0, window_bounds = array<i64: 2000, 128>}, {transform_indices = @transform_1, window_bounds = array<i64: 2000, 16>}, {transform_indices = @transform_2, window_bounds = array<i64: 2000, 128>}, {transform_indices = @transform_3, window_bounds = array<i64: 2000, 128>}, {transform_indices = @transform_4, window_bounds = array<i64: 2000, 16>}, {transform_indices = @transform_5, window_bounds = array<i64: 2000, 16>}, {pipeline_mode = #tpu.pipeline_mode<synchronous>, transform_indices = @transform_6, window_bounds = array<i64: 128, 128>}, {pipeline_mode = #tpu.pipeline_mode<synchronous>, transform_indices = @transform_7, window_bounds = array<i64: 128, 128>}, {pipeline_mode = #tpu.pipeline_mode<synchronous>, transform_indices = @transform_8, window_bounds = array<i64: 1, 128>}, {pipeline_mode = #tpu.pipeline_mode<synchronous>, transform_indices = @transform_9, window_bounds = array<i64: 128, 128>}, {pipeline_mode = #tpu.pipeline_mode<synchronous>, transform_indices = @transform_10, window_bounds = array<i64: 1, 128>}, {transform_indices = @transform_11, window_bounds = array<i64: 2000, 128>}, {transform_indices = @transform_12, window_bounds = array<i64: 2000, 16>}]} {
    %get3A = arith.constant 0 : index
    %get3A_0 = arith.constant 0 : index
    %get3A_1 = vector.load %arg3[%get3A, %get3A_0] : memref<2000x128xf32, #tpu.memory_space<vmem>>, vector<2000x128xf32>
    %get3A_2 = arith.constant 0 : index
    %get3A_3 = arith.constant 0 : index
    %get3A_4 = vector.load %arg4[%get3A_2, %get3A_3] : memref<2000x128xf32, #tpu.memory_space<vmem>>, vector<2000x128xf32>
    %add3A = arith.addf %get3A_1, %get3A_4 : vector<2000x128xf32>
    %get3A_5 = arith.constant 0 : index
    %get3A_6 = arith.constant 0 : index
    %get3A_7 = vector.load %arg5[%get3A_5, %get3A_6] : memref<2000x16xf32, #tpu.memory_space<vmem>>, vector<2000x16xf32>
    %get3A_8 = arith.constant 0 : index
    %get3A_9 = arith.constant 0 : index
    %get3A_10 = vector.load %arg6[%get3A_8, %get3A_9] : memref<2000x16xf32, #tpu.memory_space<vmem>>, vector<2000x16xf32>
    %add3A_11 = arith.addf %get3A_7, %get3A_10 : vector<2000x16xf32>
    %slice3A = vector.extract_strided_slice %add3A_11 {offsets = [0, 3], sizes = [2000, 1], strides = [1, 1]} : vector<2000x16xf32> to vector<2000x1xf32>
    %get3A_12 = arith.constant 0 : index
    %get3A_13 = arith.constant 0 : index
    %get3A_14 = vector.load %arg2[%get3A_12, %get3A_13] : memref<2000x16xf32, #tpu.memory_space<vmem>>, vector<2000x16xf32>
    %max3A = arith.constant 1.000000e+00 : f32
    %max3A_15 = vector.broadcast %max3A : f32 to vector<2000x1xf32>
    %max3A_16 = arith.maximumf %slice3A, %max3A_15 : vector<2000x1xf32>
    %div3A = vector.broadcast %max3A_16 : vector<2000x1xf32> to vector<2000x16xf32>
    %div3A_17 = arith.divf %add3A_11, %div3A : vector<2000x16xf32>
    %add3A_18 = arith.addf %get3A_14, %div3A_17 : vector<2000x16xf32>
    %swap3A = arith.constant 0 : index
    %swap3A_19 = arith.constant 0 : index
    %swap3A_20 = vector.load %arg13[%swap3A, %swap3A_19] : memref<2000x16xf32, #tpu.memory_space<vmem>>, vector<2000x16xf32>
    tpu.vector_store %arg13[%swap3A, %swap3A_19], %add3A_18 {strides = array<i32>} : memref<2000x16xf32, #tpu.memory_space<vmem>>, vector<2000x16xf32>,
    %get3A_21 = arith.constant 0 : index
    %get3A_22 = arith.constant 0 : index
    %get3A_23 = vector.load %arg1[%get3A_21, %get3A_22] : memref<2000x128xf32, #tpu.memory_space<vmem>>, vector<2000x128xf32>
    %get3A_24 = arith.constant 0 : index
    %get3A_25 = arith.constant 0 : index
    %get3A_26 = vector.load %arg7[%get3A_24, %get3A_25] : memref<128x128xf32, #tpu.memory_space<vmem>>, vector<128x128xf32>
    %dot_general3A = arith.constant dense<0.000000e+00> : vector<2000x128xf32>
    %dot_general3A_27 = tpu.matmul %get3A_23, %get3A_26, %dot_general3A {dimension_numbers = #tpu.dot_dimension_numbers<[1], [0], [0], [1], [0, 0, 1, 1], [], []>, transpose_lhs_hint = false} : vector<2000x128xf32>, vector<128x128xf32>, vector<2000x128xf32> -> vector<2000x128xf32>
    %get3A_28 = arith.constant 0 : index
    %get3A_29 = arith.constant 0 : index
    %get3A_30 = vector.load %arg8[%get3A_28, %get3A_29] : memref<128x128xf32, #tpu.memory_space<vmem>>, vector<128x128xf32>
    %dot_general3A_31 = arith.constant dense<0.000000e+00> : vector<2000x128xf32>
    %dot_general3A_32 = tpu.matmul %add3A, %get3A_30, %dot_general3A_31 {dimension_numbers = #tpu.dot_dimension_numbers<[1], [0], [0], [1], [0, 0, 1, 1], [], []>, transpose_lhs_hint = false} : vector<2000x128xf32>, vector<128x128xf32>, vector<2000x128xf32> -> vector<2000x128xf32>
    %add3A_33 = arith.addf %dot_general3A_27, %dot_general3A_32 : vector<2000x128xf32>
    %get3A_34 = arith.constant 0 : index
    %get3A_35 = arith.constant 0 : index
    %get3A_36 = vector.load %arg9[%get3A_34, %get3A_35] : memref<1x128xf32, #tpu.memory_space<vmem>>, vector<1x128xf32>
    %add3A_37 = vector.broadcast %get3A_36 : vector<1x128xf32> to vector<2000x128xf32>
    %add3A_38 = arith.addf %add3A_33, %add3A_37 : vector<2000x128xf32>
    %logistic3A = arith.negf %add3A_38 : vector<2000x128xf32>
    %logistic3A_39 = math.exp %logistic3A : vector<2000x128xf32>
    %logistic3A_40 = arith.constant 1.000000e+00 : f32
    %logistic3A_41 = vector.broadcast %logistic3A_40 : f32 to vector<2000x128xf32>
    %logistic3A_42 = arith.addf %logistic3A_41, %logistic3A_39 : vector<2000x128xf32>
    %logistic3A_43 = arith.divf %logistic3A_41, %logistic3A_42 : vector<2000x128xf32>
    %mul3A = arith.mulf %add3A_38, %logistic3A_43 : vector<2000x128xf32>
    %get3A_44 = arith.constant 0 : index
    %get3A_45 = arith.constant 0 : index
    %get3A_46 = vector.load %arg10[%get3A_44, %get3A_45] : memref<128x128xf32, #tpu.memory_space<vmem>>, vector<128x128xf32>
    %dot_general3A_47 = arith.constant dense<0.000000e+00> : vector<2000x128xf32>
    %dot_general3A_48 = tpu.matmul %mul3A, %get3A_46, %dot_general3A_47 {dimension_numbers = #tpu.dot_dimension_numbers<[1], [0], [0], [1], [0, 0, 1, 1], [], []>, transpose_lhs_hint = false} : vector<2000x128xf32>, vector<128x128xf32>, vector<2000x128xf32> -> vector<2000x128xf32>
    %get3A_49 = arith.constant 0 : index
    %get3A_50 = arith.constant 0 : index
    %get3A_51 = vector.load %arg11[%get3A_49, %get3A_50] : memref<1x128xf32, #tpu.memory_space<vmem>>, vector<1x128xf32>
    %add3A_52 = vector.broadcast %get3A_51 : vector<1x128xf32> to vector<2000x128xf32>
    %add3A_53 = arith.addf %dot_general3A_48, %add3A_52 : vector<2000x128xf32>
    %swap3A_54 = arith.constant 0 : index
    %swap3A_55 = arith.constant 0 : index
    %swap3A_56 = vector.load %arg12[%swap3A_54, %swap3A_55] : memref<2000x128xf32, #tpu.memory_space<vmem>>, vector<2000x128xf32>
    tpu.vector_store %arg12[%swap3A_54, %swap3A_55], %add3A_53 {strides = array<i32>} : memref<2000x128xf32, #tpu.memory_space<vmem>>, vector<2000x128xf32>,
    return
  }
  func.func @transform_0(%arg0: i32) -> (i32, i32) {
    %c0_i32 = arith.constant 0 : i32
    %c0_i32_0 = arith.constant 0 : i32
    return %arg0, %c0_i32 : i32, i32
  }
  func.func @transform_1(%arg0: i32) -> (i32, i32) {
    %c0_i32 = arith.constant 0 : i32
    %c0_i32_0 = arith.constant 0 : i32
    return %arg0, %c0_i32 : i32, i32
  }
  func.func @transform_2(%arg0: i32) -> (i32, i32) {
    %c0_i32 = arith.constant 0 : i32
    %c0_i32_0 = arith.constant 0 : i32
    return %arg0, %c0_i32 : i32, i32
  }
  func.func @transform_3(%arg0: i32) -> (i32, i32) {
    %c0_i32 = arith.constant 0 : i32
    %c0_i32_0 = arith.constant 0 : i32
    return %arg0, %c0_i32 : i32, i32
  }
  func.func @transform_4(%arg0: i32) -> (i32, i32) {
    %c0_i32 = arith.constant 0 : i32
    %c0_i32_0 = arith.constant 0 : i32
    return %arg0, %c0_i32 : i32, i32
  }
  func.func @transform_5(%arg0: i32) -> (i32, i32) {
    %c0_i32 = arith.constant 0 : i32
    %c0_i32_0 = arith.constant 0 : i32
    return %arg0, %c0_i32 : i32, i32
  }
  func.func @transform_6(%arg0: i32) -> (i32, i32) {
    %c0_i32 = arith.constant 0 : i32
    %c0_i32_0 = arith.constant 0 : i32
    %c0_i32_1 = arith.constant 0 : i32
    return %c0_i32, %c0_i32_0 : i32, i32
  }
  func.func @transform_7(%arg0: i32) -> (i32, i32) {
    %c0_i32 = arith.constant 0 : i32
    %c0_i32_0 = arith.constant 0 : i32
    %c0_i32_1 = arith.constant 0 : i32
    return %c0_i32, %c0_i32_0 : i32, i32
  }
  func.func @transform_8(%arg0: i32) -> (i32, i32) {
    %c0_i32 = arith.constant 0 : i32
    %c0_i32_0 = arith.constant 0 : i32
    %c0_i32_1 = arith.constant 0 : i32
    return %c0_i32, %c0_i32_0 : i32, i32
  }
  func.func @transform_9(%arg0: i32) -> (i32, i32) {
    %c0_i32 = arith.constant 0 : i32
    %c0_i32_0 = arith.constant 0 : i32
    %c0_i32_1 = arith.constant 0 : i32
    return %c0_i32, %c0_i32_0 : i32, i32
  }
  func.func @transform_10(%arg0: i32) -> (i32, i32) {
    %c0_i32 = arith.constant 0 : i32
    %c0_i32_0 = arith.constant 0 : i32
    %c0_i32_1 = arith.constant 0 : i32
    return %c0_i32, %c0_i32_0 : i32, i32
  }
  func.func @transform_11(%arg0: i32) -> (i32, i32) {
    %c0_i32 = arith.constant 0 : i32
    %c0_i32_0 = arith.constant 0 : i32
    return %arg0, %c0_i32 : i32, i32
  }
  func.func @transform_12(%arg0: i32) -> (i32, i32) {
    %c0_i32 = arith.constant 0 : i32
    %c0_i32_0 = arith.constant 0 : i32
    return %arg0, %c0_i32 : i32, i32
  }
}

</mosaic_0001>

<sc_bundles>
// kernel: kernel.10.cloned.1.call-start
scs
__scs_entry_jumppad:
0x0: {  	(pc) =	sbr.rel $0x88, $3  }
0x1: {  	(tag) =	ssettag $0x0;
	lr =	simm.s32 $0x1  }
0x2: {  	[smem:$0x3F92] =	sst lr;
	_ =	strace $0xD0000000  }
0x3: {  	_ = 	snop  }
0x4: {  	_ = 	snop  }
0x5: {  	_ = 	snop  }
0x6: {  	_ = 	snop  }
0x7: {  	_ = 	snop  }
__scs_overlays_trampoline_lowered:
0x8: {  	[smem:$0x3FA1] =	sst s0  }
0x9: {  	[smem:$0x3FA2] =	sst s1  }
0xa: {  	[smem:$0x3FA3] =	sst s2  }
0xb: {  	[smem:$0x3FA4] =	sst s3  }
0xc: {  	[smem:$0x3FA5] =	sst s4  }
0xd: {  	[smem:$0x3FA6] =	sst s5  }
0xe: {  	[smem:$0x3FA7] =	sst s6  }
0xf: {  	[smem:$0x3FA8] =	sst s7  }
0x10: {  	[smem:$0x3FA9] =	sst s8  }
0x11: {  	[smem:$0x3FAA] =	sst s9;
	s0 =	simm.s32 @!p0 $0x0  }
0x12: {  	s1 =	sld [smem:$0x3F90];
	s0 =	simm.s32 @p0 $0x1  }
0x13: {  	[smem:$0x3FAB] =	sst s0;
	s0 =	simm.s32 @!p1 $0x0  }
0x14: {  	s2 =	sld [smem:$0x3F8F];
	s0 =	simm.s32 @p1 $0x1  }
0x15: {  	[smem:$0x3FAC] =	sst s0;
	s0 =	simm.s32 @!p2 $0x0  }
0x16: {  	s3 =	sld [smem:$0x3FDB];
	s0 =	simm.s32 @p2 $0x1  }
0x17: {  	s4 =	simm.s32 $0x1BF5;
	[smem:$0x3FAE] =	sst s0  }
0x18: {  	s0 =	sld [smem:$0x3F91];
	_ =	swait.ge [sflag:s4], $0x0  }
0x19: {  	s7 =	sld [smem:$0x3F92]  }
0x1a: {  	s8 =	sadd.s32 $0xFFFFE003, lr  }
0x1b: {  	s9 =	sadd.s32 $0xFFFFFEF7, lr;
	s5 =	simm.s32 $0xFFFFFFFF;
	p2 =	slt.u32 s8, $0xFFFFF086  }
0x1c: {  	p1 =	slt.u32 s9, $0xF7A;
	s5 =	simm.s32 @!p2 $0x0  }
0x1d: {  	s5 =	simm.s32 @p1 $0x1;
	p0 =	seq.s32 s7, s2  }
0x1e: {  	s7 =	smul.u32 @!p0 $0xF7A, s2;
	p2 =	seq.s32 @!p0 s5, $0x0  }
0x1f: {  	s9 =	smul.u32 $0xF7A, s1;
	s8 =	simm.s32 @!p0 $0x1BF5;
	p2 =	por !p2, p0  }
0x20: {  	[sflag:s8] =	ssyncset.s32 @!p0 $0xFFFFF086;
	s6 =	sadd.s32 @!p0 s3, s7;
	s7 =	simm.s32 @!p0 $0x108  }
0x21: {  	s3 =	sadd.s32 s3, s9;
	s6 =	sadd.s32 @!p0 $0x88, s6;
	s7 =	simm.s32 @p2 $0x1082  }
0x22: {  	[simem:s7], [sflag:s8] =	dma.local @!p0 [hbm:s6], $0xF7A  }
0x23: {  	s9 =	sor.u32 $0xD0000000, s2;
	s6 =	simm.s32 $0x108;
	_ =	swait.ge @!p0 [sflag:s8], $0x0  }
0x24: {  	s3 =	sadd.s32 $0x88, s3;
	s6 =	simm.s32 @!p1 $0x1082;
	[sflag:s4] =	ssyncset.s32 $0xFFFFF086  }
0x25: {  	[simem:s6], [sflag:s4] =	dma.local [hbm:s3], $0xF7A  }
0x26: {  	[smem:$0x3F92] =	sst s1;
	(tag) =	ssettag s2;
	_ =	strace s9  }
0x27: {  	s1 =	sld [smem:$0x3FA2]  }
0x28: {  	s2 =	sld [smem:$0x3FA3]  }
0x29: {  	s4 =	sld [smem:$0x3FA5]  }
0x2a: {  	p0 =	seq.s32 s5, $0x0;
	s5 =	sld [smem:$0x3FA6]  }
0x2b: {  	s6 =	sld [smem:$0x3FA7]  }
0x2c: {  	s7 =	sld [smem:$0x3FA8]  }
0x2d: {  	s3 =	simm.s32 $0x108;
	s8 =	sld [smem:$0x3FA9]  }
0x2e: {  	s3 =	simm.s32 @!p0 $0x1082;
	s9 =	sld [smem:$0x3FAA]  }
0x2f: {  	lr =	sadd.s32 s0, s3;
	s0 =	sld [smem:$0x3FA1]  }
0x30: {  	s3 =	sld [smem:$0x3FA4]  }
0x31: {  	[smem:$0x3FAD] =	sst s10  }
0x32: {  	s10 =	sld [smem:$0x3FAB];
	_ =	sdelay $0x3  }
0x33: {  	p0 =	seq.s32 s10, $0x1;
	s10 =	sld [smem:$0x3FAD];
	_ =	sdelay $0x3  }
0x34: {  	[smem:$0x3FAD] =	sst s10  }
0x35: {  	s10 =	sld [smem:$0x3FAC];
	_ =	sdelay $0x3  }
0x36: {  	p1 =	seq.s32 s10, $0x1;
	s10 =	sld [smem:$0x3FAD];
	_ =	sdelay $0x3  }
0x37: {  	[smem:$0x3FAD] =	sst s10  }
0x38: {  	s10 =	sld [smem:$0x3FAE]  }
0x39: {  	_ = 	snop;
	(pc) =	sbr.ind lr, $3  }
0x3a: {  	_ = 	snop  }
0x3b: {  	_ = 	snop  }
0x3c: {  	p2 =	seq.s32 s10, $0x1;
	s10 =	sld [smem:$0x3FAD]  }
0x3d: {  	_ =	shalt  }
0x3e: {  	_ =	shalt  }
0x3f: {  	_ =	shalt  }
0x40: {  	_ =	shalt  }
0x41: {  	_ =	shalt  }
0x42: {  	_ =	shalt  }
0x43: {  	_ =	shalt  }
0x44: {  	_ =	shalt  }
0x45: {  	_ =	shalt  }
0x46: {  	_ =	shalt  }
0x47: {  	_ =	shalt  }
0x48: {  	_ =	shalt  }
0x49: {  	_ =	shalt  }
0x4a: {  	_ =	shalt  }
0x4b: {  	_ =	shalt  }
0x4c: {  	_ =	shalt  }
0x4d: {  	_ =	shalt  }
0x4e: {  	_ =	shalt  }
0x4f: {  	_ =	shalt  }
0x50: {  	_ =	shalt  }
0x51: {  	_ =	shalt  }
0x52: {  	_ =	shalt  }
0x53: {  	_ =	shalt  }
0x54: {  	_ =	shalt  }
0x55: {  	_ =	shalt  }
0x56: {  	_ =	shalt  }
0x57: {  	_ =	shalt  }
0x58: {  	_ =	shalt  }
0x59: {  	_ =	shalt  }
0x5a: {  	_ =	shalt  }
0x5b: {  	_ =	shalt  }
0x5c: {  	_ =	shalt  }
0x5d: {  	_ =	shalt  }
0x5e: {  	_ =	shalt  }
0x5f: {  	_ =	shalt  }
0x60: {  	_ =	shalt  }
0x61: {  	_ =	shalt  }
0x62: {  	_ =	shalt  }
0x63: {  	_ =	shalt  }
0x64: {  	_ =	shalt  }
0x65: {  	_ =	shalt  }
0x66: {  	_ =	shalt  }
0x67: {  	_ =	shalt  }
0x68: {  	_ =	shalt  }
0x69: {  	_ =	shalt  }
0x6a: {  	_ =	shalt  }
0x6b: {  	_ =	shalt  }
0x6c: {  	_ =	shalt  }
0x6d: {  	_ =	shalt  }
0x6e: {  	_ =	shalt  }
0x6f: {  	_ =	shalt  }
0x70: {  	_ =	shalt  }
0x71: {  	_ =	shalt  }
0x72: {  	_ =	shalt  }
0x73: {  	_ =	shalt  }
0x74: {  	_ =	shalt  }
0x75: {  	_ =	shalt  }
0x76: {  	_ =	shalt  }
0x77: {  	_ =	shalt  }
0x78: {  	_ =	shalt  }
0x79: {  	_ =	shalt  }
0x7a: {  	_ =	shalt  }
0x7b: {  	_ =	shalt  }
0x7c: {  	_ =	shalt  }
0x7d: {  	_ =	shalt  }
0x7e: {  	_ =	shalt  }
0x7f: {  	_ =	shalt  }
0x80: {  	_ =	shalt  }
0x81: {  	_ =	shalt  }
0x82: {  	_ =	shalt  }
0x83: {  	_ =	shalt  }
0x84: {  	_ =	shalt  }
0x85: {  	_ =	shalt  }
0x86: {  	_ =	shalt  }
0x87: {  	_ =	shalt  }
.Lfunc_end0:
.L_simem_size_0:
called_computation.1_lowered:
.L_overlay_start_0:
0x88: {  	s2 =	sld [smem:$0x3FD9]  }
0x89: {  	s3 =	sld [smem:$0x3FFE];
	_ =	sdelay $0x1  }
0x8a: {  	s1 =	srdreg.scid  }
0x8b: {  	s0 =	sand.u32 $0x1, s1  }
0x8c: {  	s16 =	sshll.u32 s0, $0xA;
	s2 =	sadd.s32 s3, s2  }
0x8d: {  	s2 =	sadd.s32 s2, s16  }
0x8e: {  	[smem:$0x3FB9] =	sst s2  }
0x8f: {  	_ = 	snop  }
0x90: {  	(tm) =	ssettm $0x1  }
0x91: {  	s17 =	sld [smem:$0x3FFB];
	_ =	sdelay $0x3  }
0x92: {  	_ =	strace s17  }
0x93: {  	s2 =	sld [smem:$0x3FFC];
	_ =	sdelay $0x3  }
0x94: {  	_ =	strace s2  }
0x95: {  	s2 =	sld [smem:$0x3FFD];
	_ =	sdelay $0x3  }
0x96: {  	_ =	strace s2  }
0x97: {  	_ =	strace $0x8FFFFFFF  }
0x98: {  	s18 =	sld [smem:$0x3FDB];
	_ =	sdelay $0x1  }
0x99: {  	s19 =	simm.s32 $_scs_section_size  }
0x9a: {  	s4 =	simm.s32 $_size__tile_overlayer_lowered;
	s5 =	simm.s32 $_tile_overlayer_lowered  }
0x9b: {  	s22 =	simm.s32 $0x1BFF;
	s21 =	sshll.u32 s5, $0x1;
	s2 =	sadd.s32 s19, s18  }
0x9c: {  	s6 =	simm.s32 $0x0;
	s20 =	sshll.u32 s4, $0x1;
	s4 =	sadd.s32 s21, s2  }
0x9d: {  	[timem:s6], [sflag:s22] =	dma.local [hbm:s4], s20  }
0x9e: {  	_ =	swait.ge [sflag:s22], s20  }
0x9f: {  	s3 =	ssub.s32 $0x0, s20;
	[sflag:s22] =	ssyncset.done $0x0  }
0xa0: {  	[sflag:s22] =	ssyncadd.s32 s3;
	_ =	sdelay $0x1  }
0xa1: {  	s23 =	simm.s32 $0x1B8B  }
0xa2: {  	_ =	swait.ge [sflag:s23], $0x1  }
0xa3: {  	[sflag:s23] =	ssyncset.done $0x0  }
0xa4: {  	s25 =	simm.s32 $0x1B8E;
	s24 =	sld [smem:$0x3FFE];
	[sflag:s23] =	ssyncadd.s32 $0xFFFFFFFF  }
0xa5: {  	s26 =	simm.s32 $execute0_lowered;
	[smem:$0x3FD2] =	sst s25  }
0xa6: {  	s4 =	sshll.u32 s26, $0x1;
	_ =	strace $0x80000049;
	[dreg:$0x1] =	wrdreg $0xFFFFFFFF  }
0xa7: {  	s28 =	simm.s32 $_size_execute0_lowered;
	s2 =	sadd.s32 s2, s4;
	[dreg:$0x0] =	wrdreg $0x0  }
0xa8: {  	s4 =	sshll.u32 s28, $0x1;
	[dreg:$0x2] =	wrdreg s2  }
0xa9: {  	[dreg:$0x3] =	wrdreg s4  }
0xaa: {  	[dreg:$0x4] =	wrdreg $0xC0  }
0xab: {  	_ =	task [dreg:s6], $0x5FFFF  }
0xac: {  	[dreg:$0x1] =	wrdreg $0xFFFFFFFF  }
0xad: {  	[dreg:$0x0] =	wrdreg $0x60  }
0xae: {  	[dreg:$0x2] =	wrdreg s24  }
0xaf: {  	[dreg:$0x3] =	wrdreg $0x91000  }
0xb0: {  	[dreg:$0x4] =	wrdreg $0x1C9800  }
0xb1: {  	[dreg:$0x5] =	wrdreg $0x9  }
0xb2: {  	_ =	task.clear_ibuf [dreg:s6], $0x6FFFF;
	_ =	strace $0x90000049  }
0xb3: {  	s29 =	simm.s32 $0x9;
	_ =	strace $0x8000004B  }
0xb4: {  	_ =	swait.ge [sflag:s29], $0x1  }
0xb5: {  	[sflag:s29] =	ssyncadd.s32 $0xFFFFFFFF  }
0xb6: {  	_ =	strace $0x9000004B  }
0xb7: {  	_ =	sfence  }
0xb8: {  	s30 =	sld [smem:$0x0];
	_ =	sdelay $0x2  }
0xb9: {  	s31 =	sshll.u32 s1, $0xD;
	s1 =	sshrl.u32 s1, $0x2  }
0xba: {  	s3 =	sand.u32 $0x4000, s31;
	s1 =	sadd.s32 s1, s30  }
0xbb: {  	s0 =	sor.u32 s3, s0;
	s1 =	sshll.u32 s1, $0x11  }
0xbc: {  	s0 =	sor.u32 s1, s0  }
0xbd: {  	s0 =	sadd.s32 $0x8F2B, s0  }
0xbe: {  	[sflag:s0] =	ssyncadd.remote.s32 $0x1  }
0xbf: {  	_ =	sfence.sel $0xFFFF  }
0xc0: {  	[dreg:$0x0] =	wrdreg $0xFFFFFFFF;
	(pc) =	sbr.abs _section_cstart, $3  }
0xc1: {  	[dreg:$0x1] =	wrdreg $0xFFFFFFFF  }
0xc2: {  	_ =	task.clear_ibuf [dreg:s6], $0x2FFFF;
	_ =	strace $0x9FFFFFFF  }
0xc3: {  	(tm) =	ssettm $0x7FFFFFFF  }
tec
execute0_lowered:
.L_overlay_start_1:
0x0: {  	(tag) =	ssettag $0x1  }
0x1: {  	s0 =	rddreg [dreg:$0x0]  }
0x2: {  	s1 =	rddreg [dreg:$0x1]  }
0x3: {  	s3 =	rddreg [dreg:$0x2];
	s18 =	stileid.u32  }
0x4: {  	s4 =	simm.s32 $0x0;
	s2 =	srdreg.scid;
	s5 =	smul.u32 $0x13880, s18  }
0x5: {  	s28 =	simm.s32 $0x3;
	s29 =	simm.s32 $0x6;
	s9 =	smul.u32 $0x2710, s18  }
0x6: {  	s30 =	simm.s32 $0x2;
	[smem:$0x7FF] =	sst s4;
	s15 =	smul.u32 $0x5000, s18  }
0x7: {  	s2 =	sand.u32 $0x1, s2;
	s7 =	sadd.s32 $0x545400, s0;
	s20 =	smul.u32 $0xA000, s18  }
0x8: {  	s31 =	simm.s32 $0x4;
	s8 =	sadd.s32 $0xA45400, s0;
	s6 =	smul.u32 $0x138800, s2  }
0x9: {  	s13 =	sadd.s32 $0x3B400, s0;
	s25 =	sshll.u32 s18, $0x6;
	s11 =	smul.u32 $0x27100, s2  }
0xa: {  	_ =	strace $0x8000004A;
	s23 =	ssub.s32 $0x2, s2;
	s16 =	smul.u32 $0x2800, s2  }
0xb: {  	s10 =	sshrl.u32 s5, $0x3;
	s12 =	sshrl.u32 s9, $0x3;
	s24 =	sshrl.u32 s23, $0x1  }
0xc: {  	s6 =	sadd.s32 s5, s6;
	s10 =	sadd.s32 s10, s0;
	s12 =	sadd.s32 s12, s0  }
0xd: {  	s22 =	sadd.s32 s9, s11;
	s11 =	ssub.s32 s23, s24;
	s5 =	sadd.s32 s5, s1  }
0xe: {  	s26 =	sadd.s32 s16, s15;
	s9 =	sadd.s32 s9, s3;
	s23 =	smul.u32 $0xA00, s18  }
0xf: {  	s18 =	smul.u32 $0x50000, s18;
	s6 =	sshrl.u32 s6, $0x3;
	s10 =	sadd.s32 $0x5400, s10  }
0x10: {  	[dreg:$0x5] =	wrdreg s9;
	s15 =	sadd.s32 $0x2C600, s12;
	s16 =	sor.u32 $0x80, s26  }
0x11: {  	s11 =	smax.u32 s11, $0x1;
	s14 =	sadd.s32 s6, s0;
	[dreg:$0x4] =	wrdreg s10  }
0x12: {  	s6 =	sshrl.u32 s22, $0x3;
	[dreg:$0x6] =	wrdreg s15;
	s19 =	sshrl.u32 s16, $0x7  }
0x13: {  	s22 =	smul.u32 $0x5000, s2;
	[dreg:$0x9] =	wrdreg s11;
	s24 =	sshrl.u32 s16, $0x3  }
0x14: {  	s26 =	sadd.s32 s18, s7;
	s18 =	sshrl.u32 s5, $0x3;
	s0 =	sadd.s32 s6, s0  }
0x15: {  	s6 =	sor.u32 $0x1C07, s25;
	s17 =	sadd.s32 $0x45400, s14;
	s21 =	sshll.u32 s19, $0x8  }
0x16: {  	s10 =	sshll.u32 s19, $0xB;
	s19 =	simm.s32 $0x7;
	[dreg:$0x7] =	wrdreg s17  }
0x17: {  	s0 =	sadd.s32 $0x31600, s0;
	s12 =	sadd.s32 s21, s8;
	s17 =	smul.u32 $0x500, s2  }
0x18: {  	s25 =	sadd.s32 s10, s7;
	s10 =	sadd.s32 s24, s13;
	s8 =	sadd.s32 s20, s8  }
0x19: {  	s2 =	smul.u32 $0x28000, s2;
	s20 =	simm.s32 $0x100;
	[dreg:$0x8] =	wrdreg s0  }
0x1a: {  	s21 =	simm.s32 $0x8100;
	s24 =	simm.s32 $0x8900;
	[dreg:$0xa] =	wrdreg s25  }
0x1b: {  	s0 =	sadd.s32 s23, s13;
	s15 =	sadd.s32 s22, s8;
	s22 =	simm.s32 $0x80  }
0x1c: {  	s23 =	simm.s32 $0x4100;
	s25 =	simm.s32 $0x5;
	s16 =	sadd.s32 s17, s0  }
0x1d: {  	s17 =	sadd.s32 s2, s26;
	s26 =	simm.s32 $0x1;
	s0 =	simm.s32 $0x0  }
.LBB2_1:
0x1e: {  	s2 =	rddreg [dreg:$0x4]  }
0x1f: {  	[spmem:s18], [sflag:s6] =	dma.local [hbm:s2], $0x2710  }
0x20: {  	_ =	swait.ge [sflag:s19], $0x2710  }
0x21: {  	[sflag:s19] =	ssyncset.done $0x0;
	s11 =	rddreg [dreg:$0x5]  }
0x22: {  	s5 =	rddreg [dreg:$0x6];
	[sflag:s19] =	ssyncadd.s32 $0xFFFFD8F0;
	s2 =	sshrl.u32 s11, $0x3  }
0x23: {  	[spmem:s2], [sflag:s6] =	dma.local [hbm:s5], $0x4E2  }
0x24: {  	_ =	swait.ge [sflag:s19], $0x4E2  }
0x25: {  	[sflag:s19] =	ssyncset.done $0x0  }
0x26: {  	[sflag:s19] =	ssyncadd.s32 $0xFFFFFB1E  }
0x27: {  	[bflag:$0x0] =	sbarrier.arrive $0xFFFF  }
0x28: {  	[tilespmem:s4], [sflag:$0x5] =	stream.linear.gather [hbm4b:s16+s4], $0x80, $0x38;
	[tilespmem:$0x1F090] =	vst v63  }
0x29: {  	_ = 	snop  }
0x2a: {  	[tilespmem:s20], [sflag:$0x1] =	stream.linear.gather [hbm4b:s17+s4], $0x4000, $0x38;
	[tilespmem:$0x1F090] =	vst v63  }
0x2b: {  	s13 =	sadd.s32 $0x0, s15  }
0x2c: {  	[tilespmem:s21], [sflag:$0x3] =	stream.linear.gather [hbm4b:s13+s4], $0x800, $0x38;
	[tilespmem:$0x1F090] =	vst v63  }
0x2d: {  	_ = 	snop  }
0x2e: {  	[tilespmem:s22], [sflag:$0x6] =	stream.linear.gather [hbm4b:s10+s4], $0x80, $0x38;
	[tilespmem:$0x1F090] =	vst v63  }
0x2f: {  	s13 =	rddreg [dreg:$0xa]  }
0x30: {  	[tilespmem:s23], [sflag:$0x2] =	stream.linear.gather [hbm4b:s13+s4], $0x4000, $0x38;
	[tilespmem:$0x1F090] =	vst v63  }
0x31: {  	s14 =	sadd.s32 $0x0, s12  }
0x32: {  	[tilespmem:s24], [sflag:$0x4] =	stream.linear.gather [hbm4b:s14+s4], $0x800, $0x38;
	[tilespmem:$0x1F090] =	vst v63  }
0x33: {  	_ =	swait.ge [sflag:s25], $0x80  }
0x34: {  	[sflag:s25] =	ssyncset.done $0x0  }
0x35: {  	[sflag:s25] =	ssyncadd.s32 $0xFFFFFF80  }
0x36: {  	_ =	swait.ge [sflag:s26], $0x4000  }
0x37: {  	[sflag:s26] =	ssyncset.done $0x0  }
0x38: {  	[sflag:s26] =	ssyncadd.s32 $0xFFFFC000  }
0x39: {  	_ =	swait.ge [sflag:s28], $0x800  }
0x3a: {  	[sflag:s28] =	ssyncset.done $0x0  }
0x3b: {  	[sflag:s28] =	ssyncadd.s32 $0xFFFFF800  }
0x3c: {  	[spmem:s1] =	stream.indirect.scatter.add.f32 [tilespmem:s20], [sflag:$0x7], $0x80, s4, s22, $0xb8;
	[tilespmem:$0x1F090] =	vst v63  }
0x3d: {  	_ =	swait.ge [sflag:s19], $0x4000  }
0x3e: {  	[sflag:s19] =	ssyncset.done $0x0  }
0x3f: {  	[sflag:s19] =	ssyncadd.s32 $0xFFFFC000  }
0x40: {  	[spmem:s3] =	stream.indirect.scatter.add.f32 [tilespmem:s21], [sflag:$0x7], $0x10, s4, s22, $0xb8;
	[tilespmem:$0x1F090] =	vst v63  }
0x41: {  	_ =	swait.ge [sflag:s19], $0x800  }
0x42: {  	[sflag:s19] =	ssyncset.done $0x0  }
0x43: {  	[sflag:s19] =	ssyncadd.s32 $0xFFFFF800  }
0x44: {  	_ =	swait.ge [sflag:s29], $0x80  }
0x45: {  	[sflag:s29] =	ssyncset.done $0x0  }
0x46: {  	[sflag:s29] =	ssyncadd.s32 $0xFFFFFF80  }
0x47: {  	_ =	swait.ge [sflag:s30], $0x4000  }
0x48: {  	[sflag:s30] =	ssyncset.done $0x0  }
0x49: {  	[sflag:s30] =	ssyncadd.s32 $0xFFFFC000  }
0x4a: {  	_ =	swait.ge [sflag:s31], $0x800  }
0x4b: {  	[sflag:s31] =	ssyncset.done $0x0  }
0x4c: {  	[sflag:s31] =	ssyncadd.s32 $0xFFFFF800  }
0x4d: {  	[spmem:s1] =	stream.indirect.scatter.add.f32 [tilespmem:s23], [sflag:$0x7], $0x80, s22, s22, $0xb8;
	[tilespmem:$0x1F090] =	vst v63  }
0x4e: {  	_ =	swait.ge [sflag:s19], $0x4000  }
0x4f: {  	[sflag:s19] =	ssyncset.done $0x0  }
0x50: {  	[sflag:s19] =	ssyncadd.s32 $0xFFFFC000  }
0x51: {  	[spmem:s3] =	stream.indirect.scatter.add.f32 [tilespmem:s24], [sflag:$0x7], $0x10, s22, s22, $0xb8;
	[tilespmem:$0x1F090] =	vst v63  }
0x52: {  	s7 =	sadd.s32 $0x20, s16;
	s8 =	sadd.s32 $0x1000, s17;
	_ =	swait.ge [sflag:s19], $0x800  }
0x53: {  	s5 =	simm.s32 $0x200;
	s14 =	smov.u32 s10;
	[sflag:s19] =	ssyncset.done $0x0  }
.LBB2_2:
0x54: {  	[sflag:s19] =	ssyncadd.s32 $0xFFFFF800;
	s13 =	sadd.s32 $0x1000, s13;
	s14 =	sadd.s32 $0x20, s14  }
0x55: {  	[tilespmem:s4], [sflag:$0x5] =	stream.linear.gather [hbm4b:s7+s4], $0x80, $0x38;
	[tilespmem:$0x1F090] =	vst v63  }
0x56: {  	p0 =	sne.s32 s5, $0x4E00;
	s11 =	smov.u32 s5;
	s5 =	sadd.s32 $0x200, s5  }
0x57: {  	[tilespmem:s20], [sflag:$0x1] =	stream.linear.gather [hbm4b:s8+s4], $0x4000, $0x38;
	[tilespmem:$0x1F090] =	vst v63  }
0x58: {  	s9 =	sadd.s32 s11, s15  }
0x59: {  	[tilespmem:s21], [sflag:$0x3] =	stream.linear.gather [hbm4b:s9+s4], $0x800, $0x38;
	[tilespmem:$0x1F090] =	vst v63  }
0x5a: {  	_ = 	snop  }
0x5b: {  	[tilespmem:s22], [sflag:$0x6] =	stream.linear.gather [hbm4b:s14+s4], $0x80, $0x38;
	[tilespmem:$0x1F090] =	vst v63  }
0x5c: {  	_ = 	snop  }
0x5d: {  	[tilespmem:s23], [sflag:$0x2] =	stream.linear.gather [hbm4b:s13+s4], $0x4000, $0x38;
	[tilespmem:$0x1F090] =	vst v63  }
0x5e: {  	s9 =	sadd.s32 s11, s12  }
0x5f: {  	[tilespmem:s24], [sflag:$0x4] =	stream.linear.gather [hbm4b:s9+s4], $0x800, $0x38;
	[tilespmem:$0x1F090] =	vst v63  }
0x60: {  	_ =	swait.ge [sflag:s25], $0x80  }
0x61: {  	[sflag:s25] =	ssyncset.done $0x0  }
0x62: {  	[sflag:s25] =	ssyncadd.s32 $0xFFFFFF80  }
0x63: {  	_ =	swait.ge [sflag:s26], $0x4000  }
0x64: {  	[sflag:s26] =	ssyncset.done $0x0  }
0x65: {  	[sflag:s26] =	ssyncadd.s32 $0xFFFFC000  }
0x66: {  	_ =	swait.ge [sflag:s28], $0x800  }
0x67: {  	[sflag:s28] =	ssyncset.done $0x0  }
0x68: {  	[sflag:s28] =	ssyncadd.s32 $0xFFFFF800  }
0x69: {  	[spmem:s1] =	stream.indirect.scatter.add.f32 [tilespmem:s20], [sflag:$0x7], $0x80, s4, s22, $0xb8;
	[tilespmem:$0x1F090] =	vst v63  }
0x6a: {  	_ =	swait.ge [sflag:s19], $0x4000  }
0x6b: {  	[sflag:s19] =	ssyncset.done $0x0  }
0x6c: {  	[sflag:s19] =	ssyncadd.s32 $0xFFFFC000  }
0x6d: {  	[spmem:s3] =	stream.indirect.scatter.add.f32 [tilespmem:s21], [sflag:$0x7], $0x10, s4, s22, $0xb8;
	[tilespmem:$0x1F090] =	vst v63  }
0x6e: {  	_ =	swait.ge [sflag:s19], $0x800  }
0x6f: {  	[sflag:s19] =	ssyncset.done $0x0  }
0x70: {  	[sflag:s19] =	ssyncadd.s32 $0xFFFFF800  }
0x71: {  	_ =	swait.ge [sflag:s29], $0x80  }
0x72: {  	[sflag:s29] =	ssyncset.done $0x0  }
0x73: {  	[sflag:s29] =	ssyncadd.s32 $0xFFFFFF80  }
0x74: {  	_ =	swait.ge [sflag:s30], $0x4000  }
0x75: {  	[sflag:s30] =	ssyncset.done $0x0  }
0x76: {  	[sflag:s30] =	ssyncadd.s32 $0xFFFFC000  }
0x77: {  	_ =	swait.ge [sflag:s31], $0x800  }
0x78: {  	[sflag:s31] =	ssyncset.done $0x0  }
0x79: {  	[sflag:s31] =	ssyncadd.s32 $0xFFFFF800  }
0x7a: {  	[spmem:s1] =	stream.indirect.scatter.add.f32 [tilespmem:s23], [sflag:$0x7], $0x80, s22, s22, $0xb8;
	[tilespmem:$0x1F090] =	vst v63  }
0x7b: {  	_ =	swait.ge [sflag:s19], $0x4000  }
.Ltmp0:
0x7c: {  	[sflag:s19] =	ssyncset.done $0x0;
	(pc) =	sbr.rel @p0 .LBB2_2-.Ltmp0, $4  }
0x7d: {  	[sflag:s19] =	ssyncadd.s32 $0xFFFFC000  }
0x7e: {  	[spmem:s3] =	stream.indirect.scatter.add.f32 [tilespmem:s24], [sflag:$0x7], $0x10, s22, s22, $0xb8;
	[tilespmem:$0x1F090] =	vst v63  }
0x7f: {  	_ =	swait.ge [sflag:s19], $0x800  }
0x80: {  	s7 =	sadd.s32 $0x20, s7;
	s8 =	sadd.s32 $0x1000, s8;
	[sflag:s19] =	ssyncset.done $0x0  }
0x81: {  	[sflag:s19] =	ssyncadd.s32 $0xFFFFF800  }
0x82: {  	[bflag:$0x0] =	sbarrier.arrive $0xFFFF  }
0x83: {  	s5 =	rddreg [dreg:$0x7]  }
0x84: {  	[hbm:s5], [sflag:s6] =	dma.local [spmem:s18], $0x2710  }
0x85: {  	_ =	swait.ge [sflag:s19], $0x2710  }
0x86: {  	[sflag:s19] =	ssyncset.done $0x0  }
0x87: {  	s13 =	rddreg [dreg:$0x8];
	[sflag:s19] =	ssyncadd.s32 $0xFFFFD8F0  }
0x88: {  	[hbm:s13], [sflag:s6] =	dma.local [spmem:s2], $0x4E2  }
0x89: {  	_ =	swait.ge [sflag:s19], $0x4E2  }
0x8a: {  	s0 =	sadd.s32 $0x1, s0;
	s14 =	rddreg [dreg:$0x9]  }
0x8b: {  	p0 =	sne.s32 s0, s14  }
.Ltmp1:
0x8c: {  	_ = 	snop;
	(pc) =	sbr.rel @p0 .LBB2_1-.Ltmp1, $3  }
0x8d: {  	_ =	sdelay $0x1  }
0x8e: {  	[sflag:s19] =	ssyncset.done $0x0  }
0x8f: {  	[sflag:s19] =	ssyncadd.s32 $0xFFFFFB1E  }
0x90: {  	_ =	sfence.sel $0x180000  }
0x91: {  	[bflag:$0x0] =	sbarrier.arrive $0xFFFF  }
0x92: {  	_ =	strace $0x9000004A  }
0x93: {  	s0 =	stileid.u32;
	[bflag:$0x2] =	sbarrier.arrive $0xFFFF  }
0x94: {  	p0 =	sne.s32 s0, $0x0;
	s0 =	rddreg [dreg:$0x3]  }
0x95: {  	s0 =	sadd.s32 @!p0 $0x100000, s0  }
0x96: {  	[sflag:s0] =	ssyncadd.tile.s32 @!p0 $0x1;
	_ =	shalt  }
.Lfunc_end2:
_tile_overlayer_lowered:
.L_overlay_start_2:
0x97: {  	(tag) =	ssettag $0x2  }
0x98: {  	s0 =	rddreg [dreg:$0x0];
	s2 =	stileid.u32  }
0x99: {  	s1 =	rddreg [dreg:$0x1];
	p0 =	sne.s32 s2, $0x0  }
0x9a: {  	s3 =	rddreg [dreg:$0x2];
	[bflag:$0x3] =	sbarrier.arrive $0xFFFF;
	s2 =	simm.s32 @!p0 $0x1C07  }
0x9b: {  	[timem:s3], [sflag:s2] =	dma.local @!p0 [hbm:s0], s1  }
0x9c: {  	s0 =	simm.s32 @!p0 $0x7  }
0x9d: {  	_ =	swait.ge @!p0 [sflag:s0], s1  }
0x9e: {  	s1 =	ssub.s32 @!p0 $0x0, s1;
	[sflag:s0] =	ssyncset.done @!p0 $0x0  }
0x9f: {  	[sflag:s0] =	ssyncadd.s32 @!p0 s1  }
0xa0: {  	[bflag:$0x3] =	sbarrier.arrive $0xFFFF  }
0xa1: {  	_ =	shalt  }

// kernel: kernel.7.cloned.1.call-start
scs
__scs_entry_jumppad:
0x0: {  	(pc) =	sbr.rel $0x88, $3  }
0x1: {  	(tag) =	ssettag $0x0;
	lr =	simm.s32 $0x1  }
0x2: {  	[smem:$0x3F92] =	sst lr;
	_ =	strace $0xD0000000  }
0x3: {  	_ = 	snop  }
0x4: {  	_ = 	snop  }
0x5: {  	_ = 	snop  }
0x6: {  	_ = 	snop  }
0x7: {  	_ = 	snop  }
__scs_overlays_trampoline_lowered:
0x8: {  	[smem:$0x3FA1] =	sst s0  }
0x9: {  	[smem:$0x3FA2] =	sst s1  }
0xa: {  	[smem:$0x3FA3] =	sst s2  }
0xb: {  	[smem:$0x3FA4] =	sst s3  }
0xc: {  	[smem:$0x3FA5] =	sst s4  }
0xd: {  	[smem:$0x3FA6] =	sst s5  }
0xe: {  	[smem:$0x3FA7] =	sst s6  }
0xf: {  	[smem:$0x3FA8] =	sst s7  }
0x10: {  	[smem:$0x3FA9] =	sst s8  }
0x11: {  	[smem:$0x3FAA] =	sst s9;
	s0 =	simm.s32 @!p0 $0x0  }
0x12: {  	s1 =	sld [smem:$0x3F90];
	s0 =	simm.s32 @p0 $0x1  }
0x13: {  	[smem:$0x3FAB] =	sst s0;
	s0 =	simm.s32 @!p1 $0x0  }
0x14: {  	s2 =	sld [smem:$0x3F8F];
	s0 =	simm.s32 @p1 $0x1  }
0x15: {  	[smem:$0x3FAC] =	sst s0;
	s0 =	simm.s32 @!p2 $0x0  }
0x16: {  	s3 =	sld [smem:$0x3FDB];
	s0 =	simm.s32 @p2 $0x1  }
0x17: {  	s4 =	simm.s32 $0x1BF5;
	[smem:$0x3FAE] =	sst s0  }
0x18: {  	s0 =	sld [smem:$0x3F91];
	_ =	swait.ge [sflag:s4], $0x0  }
0x19: {  	s7 =	sld [smem:$0x3F92]  }
0x1a: {  	s8 =	sadd.s32 $0xFFFFE003, lr  }
0x1b: {  	s9 =	sadd.s32 $0xFFFFFEF7, lr;
	s5 =	simm.s32 $0xFFFFFFFF;
	p2 =	slt.u32 s8, $0xFFFFF086  }
0x1c: {  	p1 =	slt.u32 s9, $0xF7A;
	s5 =	simm.s32 @!p2 $0x0  }
0x1d: {  	s5 =	simm.s32 @p1 $0x1;
	p0 =	seq.s32 s7, s2  }
0x1e: {  	s7 =	smul.u32 @!p0 $0xF7A, s2;
	p2 =	seq.s32 @!p0 s5, $0x0  }
0x1f: {  	s9 =	smul.u32 $0xF7A, s1;
	s8 =	simm.s32 @!p0 $0x1BF5;
	p2 =	por !p2, p0  }
0x20: {  	[sflag:s8] =	ssyncset.s32 @!p0 $0xFFFFF086;
	s6 =	sadd.s32 @!p0 s3, s7;
	s7 =	simm.s32 @!p0 $0x108  }
0x21: {  	s3 =	sadd.s32 s3, s9;
	s6 =	sadd.s32 @!p0 $0x88, s6;
	s7 =	simm.s32 @p2 $0x1082  }
0x22: {  	[simem:s7], [sflag:s8] =	dma.local @!p0 [hbm:s6], $0xF7A  }
0x23: {  	s9 =	sor.u32 $0xD0000000, s2;
	s6 =	simm.s32 $0x108;
	_ =	swait.ge @!p0 [sflag:s8], $0x0  }
0x24: {  	s3 =	sadd.s32 $0x88, s3;
	s6 =	simm.s32 @!p1 $0x1082;
	[sflag:s4] =	ssyncset.s32 $0xFFFFF086  }
0x25: {  	[simem:s6], [sflag:s4] =	dma.local [hbm:s3], $0xF7A  }
0x26: {  	[smem:$0x3F92] =	sst s1;
	(tag) =	ssettag s2;
	_ =	strace s9  }
0x27: {  	s1 =	sld [smem:$0x3FA2]  }
0x28: {  	s2 =	sld [smem:$0x3FA3]  }
0x29: {  	s4 =	sld [smem:$0x3FA5]  }
0x2a: {  	p0 =	seq.s32 s5, $0x0;
	s5 =	sld [smem:$0x3FA6]  }
0x2b: {  	s6 =	sld [smem:$0x3FA7]  }
0x2c: {  	s7 =	sld [smem:$0x3FA8]  }
0x2d: {  	s3 =	simm.s32 $0x108;
	s8 =	sld [smem:$0x3FA9]  }
0x2e: {  	s3 =	simm.s32 @!p0 $0x1082;
	s9 =	sld [smem:$0x3FAA]  }
0x2f: {  	lr =	sadd.s32 s0, s3;
	s0 =	sld [smem:$0x3FA1]  }
0x30: {  	s3 =	sld [smem:$0x3FA4]  }
0x31: {  	[smem:$0x3FAD] =	sst s10  }
0x32: {  	s10 =	sld [smem:$0x3FAB];
	_ =	sdelay $0x3  }
0x33: {  	p0 =	seq.s32 s10, $0x1;
	s10 =	sld [smem:$0x3FAD];
	_ =	sdelay $0x3  }
0x34: {  	[smem:$0x3FAD] =	sst s10  }
0x35: {  	s10 =	sld [smem:$0x3FAC];
	_ =	sdelay $0x3  }
0x36: {  	p1 =	seq.s32 s10, $0x1;
	s10 =	sld [smem:$0x3FAD];
	_ =	sdelay $0x3  }
0x37: {  	[smem:$0x3FAD] =	sst s10  }
0x38: {  	s10 =	sld [smem:$0x3FAE]  }
0x39: {  	_ = 	snop;
	(pc) =	sbr.ind lr, $3  }
0x3a: {  	_ = 	snop  }
0x3b: {  	_ = 	snop  }
0x3c: {  	p2 =	seq.s32 s10, $0x1;
	s10 =	sld [smem:$0x3FAD]  }
0x3d: {  	_ =	shalt  }
0x3e: {  	_ =	shalt  }
0x3f: {  	_ =	shalt  }
0x40: {  	_ =	shalt  }
0x41: {  	_ =	shalt  }
0x42: {  	_ =	shalt  }
0x43: {  	_ =	shalt  }
0x44: {  	_ =	shalt  }
0x45: {  	_ =	shalt  }
0x46: {  	_ =	shalt  }
0x47: {  	_ =	shalt  }
0x48: {  	_ =	shalt  }
0x49: {  	_ =	shalt  }
0x4a: {  	_ =	shalt  }
0x4b: {  	_ =	shalt  }
0x4c: {  	_ =	shalt  }
0x4d: {  	_ =	shalt  }
0x4e: {  	_ =	shalt  }
0x4f: {  	_ =	shalt  }
0x50: {  	_ =	shalt  }
0x51: {  	_ =	shalt  }
0x52: {  	_ =	shalt  }
0x53: {  	_ =	shalt  }
0x54: {  	_ =	shalt  }
0x55: {  	_ =	shalt  }
0x56: {  	_ =	shalt  }
0x57: {  	_ =	shalt  }
0x58: {  	_ =	shalt  }
0x59: {  	_ =	shalt  }
0x5a: {  	_ =	shalt  }
0x5b: {  	_ =	shalt  }
0x5c: {  	_ =	shalt  }
0x5d: {  	_ =	shalt  }
0x5e: {  	_ =	shalt  }
0x5f: {  	_ =	shalt  }
0x60: {  	_ =	shalt  }
0x61: {  	_ =	shalt  }
0x62: {  	_ =	shalt  }
0x63: {  	_ =	shalt  }
0x64: {  	_ =	shalt  }
0x65: {  	_ =	shalt  }
0x66: {  	_ =	shalt  }
0x67: {  	_ =	shalt  }
0x68: {  	_ =	shalt  }
0x69: {  	_ =	shalt  }
0x6a: {  	_ =	shalt  }
0x6b: {  	_ =	shalt  }
0x6c: {  	_ =	shalt  }
0x6d: {  	_ =	shalt  }
0x6e: {  	_ =	shalt  }
0x6f: {  	_ =	shalt  }
0x70: {  	_ =	shalt  }
0x71: {  	_ =	shalt  }
0x72: {  	_ =	shalt  }
0x73: {  	_ =	shalt  }
0x74: {  	_ =	shalt  }
0x75: {  	_ =	shalt  }
0x76: {  	_ =	shalt  }
0x77: {  	_ =	shalt  }
0x78: {  	_ =	shalt  }
0x79: {  	_ =	shalt  }
0x7a: {  	_ =	shalt  }
0x7b: {  	_ =	shalt  }
0x7c: {  	_ =	shalt  }
0x7d: {  	_ =	shalt  }
0x7e: {  	_ =	shalt  }
0x7f: {  	_ =	shalt  }
0x80: {  	_ =	shalt  }
0x81: {  	_ =	shalt  }
0x82: {  	_ =	shalt  }
0x83: {  	_ =	shalt  }
0x84: {  	_ =	shalt  }
0x85: {  	_ =	shalt  }
0x86: {  	_ =	shalt  }
0x87: {  	_ =	shalt  }
.Lfunc_end0:
.L_simem_size_0:
called_computation_lowered:
.L_overlay_start_0:
0x88: {  	s2 =	sld [smem:$0x3FD9]  }
0x89: {  	s3 =	sld [smem:$0x3FFE];
	_ =	sdelay $0x1  }
0x8a: {  	s1 =	srdreg.scid  }
0x8b: {  	s0 =	sand.u32 $0x1, s1  }
0x8c: {  	s16 =	sshll.u32 s0, $0xA;
	s2 =	sadd.s32 s3, s2  }
0x8d: {  	s2 =	sadd.s32 s2, s16  }
0x8e: {  	[smem:$0x3FB9] =	sst s2  }
0x8f: {  	_ = 	snop  }
0x90: {  	(tm) =	ssettm $0x1  }
0x91: {  	s17 =	sld [smem:$0x3FFB];
	_ =	sdelay $0x3  }
0x92: {  	_ =	strace s17  }
0x93: {  	s2 =	sld [smem:$0x3FFC];
	_ =	sdelay $0x3  }
0x94: {  	_ =	strace s2  }
0x95: {  	s2 =	sld [smem:$0x3FFD];
	_ =	sdelay $0x3  }
0x96: {  	_ =	strace s2  }
0x97: {  	_ =	strace $0x8FFFFFFF  }
0x98: {  	s18 =	sld [smem:$0x3FDB];
	_ =	sdelay $0x1  }
0x99: {  	s19 =	simm.s32 $_scs_section_size  }
0x9a: {  	s4 =	simm.s32 $_size__tile_overlayer_lowered;
	s5 =	simm.s32 $_tile_overlayer_lowered  }
0x9b: {  	s22 =	simm.s32 $0x1BFF;
	s21 =	sshll.u32 s5, $0x1;
	s2 =	sadd.s32 s19, s18  }
0x9c: {  	s6 =	simm.s32 $0x0;
	s20 =	sshll.u32 s4, $0x1;
	s4 =	sadd.s32 s21, s2  }
0x9d: {  	[timem:s6], [sflag:s22] =	dma.local [hbm:s4], s20  }
0x9e: {  	_ =	swait.ge [sflag:s22], s20  }
0x9f: {  	s3 =	ssub.s32 $0x0, s20;
	[sflag:s22] =	ssyncset.done $0x0  }
0xa0: {  	[sflag:s22] =	ssyncadd.s32 s3;
	_ =	sdelay $0x1  }
0xa1: {  	s23 =	simm.s32 $0x1B8B  }
0xa2: {  	_ =	swait.ge [sflag:s23], $0x1  }
0xa3: {  	[sflag:s23] =	ssyncset.done $0x0  }
0xa4: {  	s25 =	simm.s32 $0x1B8E;
	s24 =	sld [smem:$0x3FFE];
	[sflag:s23] =	ssyncadd.s32 $0xFFFFFFFF  }
0xa5: {  	s26 =	simm.s32 $execute0_lowered;
	[smem:$0x3FD2] =	sst s25  }
0xa6: {  	s4 =	sshll.u32 s26, $0x1;
	_ =	strace $0x80000046;
	[dreg:$0x1] =	wrdreg $0xFFFFFFFF  }
0xa7: {  	s28 =	simm.s32 $_size_execute0_lowered;
	s2 =	sadd.s32 s2, s4;
	[dreg:$0x0] =	wrdreg $0x0  }
0xa8: {  	s4 =	sshll.u32 s28, $0x1;
	[dreg:$0x2] =	wrdreg s2  }
0xa9: {  	[dreg:$0x3] =	wrdreg s4  }
0xaa: {  	[dreg:$0x4] =	wrdreg $0xC0  }
0xab: {  	_ =	task [dreg:s6], $0x5FFFF  }
0xac: {  	[dreg:$0x1] =	wrdreg $0xFFFFFFFF  }
0xad: {  	[dreg:$0x0] =	wrdreg $0x60  }
0xae: {  	[dreg:$0x2] =	wrdreg s24  }
0xaf: {  	[dreg:$0x3] =	wrdreg $0x9  }
0xb0: {  	_ =	task.clear_ibuf [dreg:s6], $0x4FFFF;
	_ =	strace $0x90000046  }
0xb1: {  	s29 =	simm.s32 $0x9;
	_ =	strace $0x80000048  }
0xb2: {  	_ =	swait.ge [sflag:s29], $0x1  }
0xb3: {  	[sflag:s29] =	ssyncadd.s32 $0xFFFFFFFF  }
0xb4: {  	_ =	strace $0x90000048  }
0xb5: {  	_ =	sfence  }
0xb6: {  	s30 =	sld [smem:$0x0];
	_ =	sdelay $0x2  }
0xb7: {  	s31 =	sshll.u32 s1, $0xD;
	s1 =	sshrl.u32 s1, $0x2  }
0xb8: {  	s3 =	sand.u32 $0x4000, s31;
	s1 =	sadd.s32 s1, s30  }
0xb9: {  	s0 =	sor.u32 s3, s0;
	s1 =	sshll.u32 s1, $0x11  }
0xba: {  	s0 =	sor.u32 s1, s0  }
0xbb: {  	s0 =	sadd.s32 $0x8F2B, s0  }
0xbc: {  	[sflag:s0] =	ssyncadd.remote.s32 $0x1  }
0xbd: {  	_ =	sfence.sel $0xFFFF  }
0xbe: {  	[dreg:$0x0] =	wrdreg $0xFFFFFFFF;
	(pc) =	sbr.abs _section_cstart, $3  }
0xbf: {  	[dreg:$0x1] =	wrdreg $0xFFFFFFFF  }
0xc0: {  	_ =	task.clear_ibuf [dreg:s6], $0x2FFFF;
	_ =	strace $0x9FFFFFFF  }
0xc1: {  	(tm) =	ssettm $0x7FFFFFFF  }
tec
execute0_lowered:
.L_overlay_start_1:
0x0: {  	(tag) =	ssettag $0x1  }
0x1: {  	s1 =	srdreg.scid  }
0x2: {  	s0 =	stileid.u32;
	s5 =	rddreg [dreg:$0x0];
	s2 =	simm.s32 $0x0  }
0x3: {  	s11 =	simm.s32 $0x5;
	s12 =	simm.s32 $0x2800;
	s13 =	simm.s32 $0x80  }
0x4: {  	s14 =	simm.s32 $0x5000;
	s15 =	simm.s32 $0xE000;
	s16 =	simm.s32 $0x9800  }
0x5: {  	s17 =	simm.s32 $0x2880;
	s18 =	simm.s32 $0x12800;
	s19 =	simm.s32 $0x1  }
0x6: {  	s20 =	simm.s32 $0x3;
	s6 =	sand.u32 $0x1, s1;
	s3 =	sshll.u32 s0, $0x1  }
0x7: {  	s21 =	simm.s32 $0x2;
	s22 =	simm.s32 $0x4;
	s7 =	sor.u32 s6, s3  }
0x8: {  	s23 =	simm.s32 $0x0;
	s1 =	rddreg [dreg:$0x1];
	s8 =	smul.u32 $0x500, s7  }
.Ltmp0:
0x9: {  	[smem:$0x7FF] =	sst s2;
	s9 =	ssub.s32 $0x2, s6;
	(pc) =	sbr.rel .LBB2_1-.Ltmp0, $4  }
0xa: {  	s4 =	sadd.s32 $0x53600, s5;
	s10 =	sshrl.u32 s9, $0x1;
	s6 =	smul.u32 $0x50, s7  }
0xb: {  	_ =	strace $0x80000047;
	s3 =	sadd.s32 $0x5400, s5;
	s10 =	ssub.s32 s9, s10  }
0xc: {  	s8 =	sadd.s32 s8, s5;
	s5 =	sadd.s32 $0x7F600, s5;
	s9 =	sor.u32 $0x1, s6  }
0xd: {  	s10 =	smax.u32 s10, $0x1;
	s7 =	sadd.s32 $0x31400, s8;
	s8 =	sadd.s32 $0x3B400, s8  }
.LBB2_8:
0xe: {  	s23 =	sadd.s32 $0x1, s23  }
0xf: {  	p0 =	sne.s32 s23, s10  }
.Ltmp1:
0x10: {  	_ = 	snop;
	(pc) =	sbr.rel @!p0 .LBB2_9-.Ltmp1, $1  }
0x11: {  	_ =	sdelay $0x3  }
.LBB2_1:
0x12: {  	[tilespmem:s2], [sflag:$0x5] =	stream.linear.gather [hbm4b:s7+s2], $0x2800, $0x38;
	[tilespmem:$0x17000] =	vst v63  }
0x13: {  	_ =	swait.ge [sflag:s11], $0x2800  }
0x14: {  	[sflag:s11] =	ssyncset.done $0x0  }
0x15: {  	[sflag:s11] =	ssyncadd.s32 $0xFFFFD800  }
0x16: {  	[tilespmem:s12], [sflag:$0x5] =	stream.linear.gather [hbm4b:s8+s2], $0x2800, $0x38;
	[tilespmem:$0x17000] =	vst v63  }
0x17: {  	_ =	swait.ge [sflag:s11], $0x2800  }
0x18: {  	[sflag:s11] =	ssyncset.done $0x0  }
0x19: {  	[sflag:s11] =	ssyncadd.s32 $0xFFFFD800  }
0x1a: {  	[tilespmem:s14], [sflag:$0x1] =	stream.indirect.gather [hbm4b:s3+s13], $0x90, s2, s13, $0xb8;
	[tilespmem:$0x17000] =	vst v63  }
0x1b: {  	_ = 	snop  }
0x1c: {  	[tilespmem:s15], [sflag:$0x3] =	stream.indirect.gather [hbm4b:s4+s13], $0x90, s12, s13, $0xb8;
	[tilespmem:$0x17000] =	vst v63  }
0x1d: {  	_ = 	snop  }
0x1e: {  	[tilespmem:s16], [sflag:$0x2] =	stream.indirect.gather [hbm4b:s3+s13], $0x90, s13, s13, $0xb8;
	[tilespmem:$0x17000] =	vst v63  }
0x1f: {  	s24 =	simm.s32 $0x0  }
0x20: {  	[tilespmem:s18], [sflag:$0x4] =	stream.indirect.gather [hbm4b:s4+s13], $0x90, s17, s13, $0xb8;
	[tilespmem:$0x17000] =	vst v63  }
.LBB2_2:
0x21: {  	_ =	swait.ge [sflag:s19], $0x4800  }
0x22: {  	[sflag:s19] =	ssyncset.done $0x0  }
0x23: {  	[sflag:s19] =	ssyncadd.s32 $0xFFFFB800  }
0x24: {  	_ =	swait.ge [sflag:s20], $0x4800  }
0x25: {  	[sflag:s20] =	ssyncset.done $0x0  }
0x26: {  	s26 =	simm.s32 $0x0;
	[sflag:s20] =	ssyncadd.s32 $0xFFFFB800  }
0x27: {  	v6 =	vld [tilespmem:s26+$0xE000]  }
0x28: {  	v7 =	vld [tilespmem:s26+$0xE010]  }
0x29: {  	v11 =	vld [tilespmem:s26+$0xE020]  }
0x2a: {  	v5 =	vld [tilespmem:s26+$0xE030]  }
0x2b: {  	v4 =	vld [tilespmem:s26+$0xE040]  }
0x2c: {  	v3 =	vld [tilespmem:s26+$0xE050]  }
0x2d: {  	v2 =	vld [tilespmem:s26+$0xE060]  }
0x2e: {  	v1 =	vld [tilespmem:s26+$0xE070]  }
0x2f: {  	v0 =	vld [tilespmem:s26+$0xE080]  }
0x30: {  	v8 =	vld [tilespmem:s26+$0x5000]  }
0x31: {  	v12 =	vld [tilespmem:s26+$0x5010]  }
0x32: {  	v13 =	vld [tilespmem:s26+$0x5020]  }
0x33: {  	v10 =	vld [tilespmem:s26+$0x5030]  }
0x34: {  	v9 =	vld [tilespmem:s26+$0x5040]  }
0x35: {  	v14 =	vadd.f32 v6, v8;
	v8 =	vld [tilespmem:s26+$0x5050]  }
0x36: {  	v6 =	vld [tilespmem:s26+$0x5060];
	v12 =	vadd.f32 v7, v12  }
0x37: {  	s25 =	simm.s32 $0x240;
	v11 =	vadd.f32 v11, v13;
	v7 =	vld [tilespmem:s26+$0x5070];
	[tilespmem:s26+$0x5000] =	vst v14  }
.LBB2_3:
0x38: {  	s28 =	sshra.s32 s25, $0x2;
	p0 =	sne.s32 s25, $0x11DC0;
	[tilespmem:s26+$0x5010] =	vst v12;
	v5 =	vadd.f32 v5, v10;
	v10 =	vld [tilespmem:s26+$0x5080]  }
0x39: {  	v12 =	vld [tilespmem:s28+$0xE000];
	[tilespmem:s26+$0x5020] =	vst v11;
	v4 =	vadd.f32 v4, v9  }
0x3a: {  	v11 =	vld [tilespmem:s28+$0xE010];
	[tilespmem:s26+$0x5030] =	vst v5;
	v3 =	vadd.f32 v3, v8  }
0x3b: {  	v13 =	vld [tilespmem:s28+$0xE020];
	[tilespmem:s26+$0x5040] =	vst v4;
	v2 =	vadd.f32 v2, v6  }
0x3c: {  	v5 =	vld [tilespmem:s28+$0xE030];
	[tilespmem:s26+$0x5050] =	vst v3;
	v1 =	vadd.f32 v1, v7  }
0x3d: {  	v4 =	vld [tilespmem:s28+$0xE040];
	[tilespmem:s26+$0x5060] =	vst v2;
	v0 =	vsub.f32 v10, v0  }
0x3e: {  	v3 =	vld [tilespmem:s28+$0xE050];
	[tilespmem:s26+$0x5070] =	vst v1  }
0x3f: {  	v2 =	vld [tilespmem:s28+$0xE060];
	[tilespmem:s26+$0x5080] =	vst v0;
	s26 =	smov.u32 s28  }
0x40: {  	v1 =	vld [tilespmem:s26+$0xE070]  }
0x41: {  	v0 =	vld [tilespmem:s26+$0xE080]  }
0x42: {  	v6 =	vld [tilespmem:s26+$0x5000]  }
0x43: {  	v7 =	vld [tilespmem:s26+$0x5010]  }
0x44: {  	v14 =	vld [tilespmem:s26+$0x5020]  }
.Ltmp2:
0x45: {  	v10 =	vld [tilespmem:s26+$0x5030];
	(pc) =	sbr.rel @p0 .LBB2_3-.Ltmp2, $4  }
0x46: {  	v9 =	vld [tilespmem:s26+$0x5040]  }
0x47: {  	v15 =	vadd.f32 v12, v6;
	v8 =	vld [tilespmem:s26+$0x5050]  }
0x48: {  	v12 =	vadd.f32 v11, v7;
	v6 =	vld [tilespmem:s26+$0x5060]  }
0x49: {  	s25 =	sadd.s32 $0x240, s25;
	[tilespmem:s26+$0x5000] =	vst v15;
	v11 =	vadd.f32 v13, v14;
	v7 =	vld [tilespmem:s26+$0x5070]  }
0x4a: {  	[tilespmem:s26+$0x5010] =	vst v12;
	v5 =	vadd.f32 v5, v10;
	v10 =	vld [tilespmem:s26+$0x5080]  }
0x4b: {  	[tilespmem:s26+$0x5020] =	vst v11;
	v4 =	vadd.f32 v4, v9  }
0x4c: {  	[tilespmem:s26+$0x5030] =	vst v5;
	v3 =	vadd.f32 v3, v8  }
0x4d: {  	s25 =	sshll.u32 s24, $0x1;
	[tilespmem:s26+$0x5040] =	vst v4;
	v2 =	vadd.f32 v2, v6  }
0x4e: {  	s28 =	sadd.s32 s6, s25;
	[tilespmem:s26+$0x5050] =	vst v3;
	v1 =	vadd.f32 v1, v7  }
0x4f: {  	s28 =	smul.u32 $0x900, s28;
	[tilespmem:s26+$0x5060] =	vst v2;
	v0 =	vsub.f32 v10, v0  }
0x50: {  	[tilespmem:s26+$0x5070] =	vst v1  }
0x51: {  	s31 =	sadd.s32 s5, s28;
	[tilespmem:s26+$0x5080] =	vst v0  }
0x52: {  	[hbm4b:s31+s2] =	stream.linear.scatter [tilespmem:s14], [sflag:$0x5], $0x4800, $0x38;
	[tilespmem:$0x17000] =	vst v63  }
0x53: {  	p0 =	seq.s32 s24, $0x27;
	_ =	swait.ge [sflag:s11], $0x4800  }
0x54: {  	s29 =	simm.s32 @!p0 $0x80;
	s26 =	sshll.u32 @!p0 s24, $0x8;
	[sflag:s11] =	ssyncset.done $0x0  }
0x55: {  	s30 =	simm.s32 @!p0 $0x5000;
	s28 =	sadd.s32 @!p0 $0x100, s26;
	[sflag:s11] =	ssyncadd.s32 $0xFFFFB800  }
0x56: {  	[tilespmem:s30], [sflag:$0x1] =	stream.indirect.gather @!p0 [hbm4b:s3+s29], $0x90, s28, s29, $0xb8;
	[tilespmem:$0x17000] =	vst v63  }
0x57: {  	s26 =	sadd.s32 @!p0 $0x2900, s26;
	s28 =	simm.s32 @!p0 $0xE000  }
0x58: {  	[tilespmem:s28], [sflag:$0x3] =	stream.indirect.gather @!p0 [hbm4b:s4+s29], $0x90, s26, s29, $0xb8;
	[tilespmem:$0x17000] =	vst v63  }
0x59: {  	_ =	swait.ge [sflag:s21], $0x4800  }
0x5a: {  	[sflag:s21] =	ssyncset.done $0x0  }
0x5b: {  	[sflag:s21] =	ssyncadd.s32 $0xFFFFB800  }
0x5c: {  	_ =	swait.ge [sflag:s22], $0x4800  }
0x5d: {  	[sflag:s22] =	ssyncset.done $0x0  }
0x5e: {  	s26 =	simm.s32 $0x0;
	[sflag:s22] =	ssyncadd.s32 $0xFFFFB800  }
0x5f: {  	v6 =	vld [tilespmem:s26+$0x12800]  }
0x60: {  	v8 =	vld [tilespmem:s26+$0x12810]  }
0x61: {  	v11 =	vld [tilespmem:s26+$0x12820]  }
0x62: {  	v5 =	vld [tilespmem:s26+$0x12830]  }
0x63: {  	v4 =	vld [tilespmem:s26+$0x12840]  }
0x64: {  	v3 =	vld [tilespmem:s26+$0x12850]  }
0x65: {  	v2 =	vld [tilespmem:s26+$0x12860]  }
0x66: {  	v1 =	vld [tilespmem:s26+$0x12870]  }
0x67: {  	v0 =	vld [tilespmem:s26+$0x12880]  }
0x68: {  	v7 =	vld [tilespmem:s26+$0x9800]  }
0x69: {  	v12 =	vld [tilespmem:s26+$0x9810]  }
0x6a: {  	v13 =	vld [tilespmem:s26+$0x9820]  }
0x6b: {  	v10 =	vld [tilespmem:s26+$0x9830]  }
0x6c: {  	v9 =	vld [tilespmem:s26+$0x9840]  }
0x6d: {  	v14 =	vadd.f32 v6, v7;
	v7 =	vld [tilespmem:s26+$0x9850]  }
0x6e: {  	v6 =	vld [tilespmem:s26+$0x9860];
	v12 =	vadd.f32 v8, v12  }
0x6f: {  	s28 =	simm.s32 $0x240;
	v11 =	vadd.f32 v11, v13;
	v8 =	vld [tilespmem:s26+$0x9870];
	[tilespmem:s26+$0x9800] =	vst v14  }
.LBB2_5:
0x70: {  	s29 =	sshra.s32 s28, $0x2;
	p1 =	sne.s32 s28, $0x11DC0;
	[tilespmem:s26+$0x9810] =	vst v12;
	v5 =	vadd.f32 v5, v10;
	v10 =	vld [tilespmem:s26+$0x9880]  }
0x71: {  	v12 =	vld [tilespmem:s29+$0x12800];
	[tilespmem:s26+$0x9820] =	vst v11;
	v4 =	vadd.f32 v4, v9  }
0x72: {  	v11 =	vld [tilespmem:s29+$0x12810];
	[tilespmem:s26+$0x9830] =	vst v5;
	v3 =	vadd.f32 v3, v7  }
0x73: {  	v13 =	vld [tilespmem:s29+$0x12820];
	[tilespmem:s26+$0x9840] =	vst v4;
	v2 =	vadd.f32 v2, v6  }
0x74: {  	v5 =	vld [tilespmem:s29+$0x12830];
	[tilespmem:s26+$0x9850] =	vst v3;
	v1 =	vadd.f32 v1, v8  }
0x75: {  	v4 =	vld [tilespmem:s29+$0x12840];
	[tilespmem:s26+$0x9860] =	vst v2;
	v0 =	vsub.f32 v10, v0  }
0x76: {  	v3 =	vld [tilespmem:s29+$0x12850];
	[tilespmem:s26+$0x9870] =	vst v1  }
0x77: {  	v2 =	vld [tilespmem:s29+$0x12860];
	[tilespmem:s26+$0x9880] =	vst v0;
	s26 =	smov.u32 s29  }
0x78: {  	v1 =	vld [tilespmem:s26+$0x12870]  }
0x79: {  	v0 =	vld [tilespmem:s26+$0x12880]  }
0x7a: {  	v6 =	vld [tilespmem:s26+$0x9800]  }
0x7b: {  	v8 =	vld [tilespmem:s26+$0x9810]  }
0x7c: {  	v14 =	vld [tilespmem:s26+$0x9820]  }
.Ltmp3:
0x7d: {  	v10 =	vld [tilespmem:s26+$0x9830];
	(pc) =	sbr.rel @p1 .LBB2_5-.Ltmp3, $4  }
0x7e: {  	v9 =	vld [tilespmem:s26+$0x9840]  }
0x7f: {  	v15 =	vadd.f32 v12, v6;
	v7 =	vld [tilespmem:s26+$0x9850]  }
0x80: {  	v12 =	vadd.f32 v11, v8;
	v6 =	vld [tilespmem:s26+$0x9860]  }
0x81: {  	s28 =	sadd.s32 $0x240, s28;
	[tilespmem:s26+$0x9800] =	vst v15;
	v11 =	vadd.f32 v13, v14;
	v8 =	vld [tilespmem:s26+$0x9870]  }
0x82: {  	[tilespmem:s26+$0x9810] =	vst v12;
	v5 =	vadd.f32 v5, v10;
	v63 =	vld [tilespmem:s26+$0x9880]  }
0x83: {  	[tilespmem:s26+$0x9820] =	vst v11;
	v4 =	vadd.f32 v4, v9  }
0x84: {  	[tilespmem:s26+$0x9830] =	vst v5;
	v3 =	vadd.f32 v3, v7  }
0x85: {  	[tilespmem:s26+$0x9840] =	vst v4;
	v2 =	vadd.f32 v2, v6  }
0x86: {  	s25 =	sadd.s32 s25, s9;
	[tilespmem:s26+$0x9850] =	vst v3;
	v1 =	vadd.f32 v1, v8  }
0x87: {  	s25 =	smul.u32 $0x900, s25;
	[tilespmem:s26+$0x9860] =	vst v2;
	v0 =	vsub.f32 v63, v0  }
0x88: {  	[tilespmem:s26+$0x9870] =	vst v1  }
.Ltmp4:
0x89: {  	s25 =	sadd.s32 s5, s25;
	[tilespmem:s26+$0x9880] =	vst v0;
	(pc) =	sbr.rel @p0 .LBB2_8-.Ltmp4, $4  }
0x8a: {  	[hbm4b:s25+s2] =	stream.linear.scatter [tilespmem:s16], [sflag:$0x5], $0x4800, $0x38;
	[tilespmem:$0x17000] =	vst v63  }
0x8b: {  	_ =	swait.ge [sflag:s11], $0x4800  }
0x8c: {  	[sflag:s11] =	ssyncset.done $0x0  }
0x8d: {  	[sflag:s11] =	ssyncadd.s32 $0xFFFFB800  }
.Ltmp5:
0x8e: {  	s25 =	sshll.u32 s24, $0x8;
	(pc) =	sbr.rel .LBB2_2-.Ltmp5, $4  }
0x8f: {  	s26 =	sadd.s32 $0x180, s25  }
0x90: {  	[tilespmem:s16], [sflag:$0x2] =	stream.indirect.gather [hbm4b:s3+s13], $0x90, s26, s13, $0xb8;
	[tilespmem:$0x17000] =	vst v63  }
0x91: {  	s24 =	sadd.s32 $0x1, s24;
	s25 =	sadd.s32 $0x2980, s25  }
0x92: {  	[tilespmem:s18], [sflag:$0x4] =	stream.indirect.gather [hbm4b:s4+s13], $0x90, s25, s13, $0xb8;
	[tilespmem:$0x17000] =	vst v63  }
.LBB2_9:
0x93: {  	_ =	sfence.sel $0x180000  }
0x94: {  	[bflag:$0x0] =	sbarrier.arrive $0xFFFF  }
0x95: {  	p0 =	sne.s32 s0, $0x0;
	_ =	strace $0x90000047  }
0x96: {  	s0 =	sadd.s32 @!p0 $0x100000, s1;
	[bflag:$0x2] =	sbarrier.arrive $0xFFFF  }
0x97: {  	[sflag:s0] =	ssyncadd.tile.s32 @!p0 $0x1;
	_ =	shalt  }
.Lfunc_end2:
_tile_overlayer_lowered:
.L_overlay_start_2:
0x98: {  	(tag) =	ssettag $0x2  }
0x99: {  	s0 =	rddreg [dreg:$0x0];
	s2 =	stileid.u32  }
0x9a: {  	s1 =	rddreg [dreg:$0x1];
	p0 =	sne.s32 s2, $0x0  }
0x9b: {  	s3 =	rddreg [dreg:$0x2];
	[bflag:$0x3] =	sbarrier.arrive $0xFFFF;
	s2 =	simm.s32 @!p0 $0x1C05  }
0x9c: {  	[timem:s3], [sflag:s2] =	dma.local @!p0 [hbm:s0], s1  }
0x9d: {  	s0 =	simm.s32 @!p0 $0x5  }
0x9e: {  	_ =	swait.ge @!p0 [sflag:s0], s1  }
0x9f: {  	s1 =	ssub.s32 @!p0 $0x0, s1;
	[sflag:s0] =	ssyncset.done @!p0 $0x0  }
0xa0: {  	[sflag:s0] =	ssyncadd.s32 @!p0 s1  }
0xa1: {  	[bflag:$0x3] =	sbarrier.arrive $0xFFFF  }
0xa2: {  	_ =	shalt  }

</sc_bundles>
